<compile_context>
chip_gen: v7x
topology: tpu7x:2x2x1
jax: 0.10.2.dev20260603
libtpu: 0.0.44.dev20260713+nightly
codegen_flags: <defaults>
</compile_context>

<pallas_src>
import functools

import jax
import jax.numpy as jnp
from jax import lax
from jax.experimental import pallas as pl
from jax.experimental.pallas import tpu as pltpu
from jax.experimental.pallas import tpu_sc as plsc

N = 10000
E = 320000
D = 128
D_OUT = 64

NC = 2
NS = 16
CH = 128
NCH = 80
PER_TILE = CH * NCH
EP = NC * NS * PER_TILE
NT = 10240
STRIPE = NT // NS
NT_DEG = 10240
STRIPE_DEG = NT_DEG // NS
ROW_BLK = 1000

_mesh = plsc.VectorSubcoreMesh(core_axis_name="c", subcore_axis_name="s")


def _zero_f32_vec(ref, n):
    z = jnp.zeros((16,), jnp.float32)
    for k in range(n // 16):
        ref[pl.ds(16 * k, 16)] = z


@functools.partial(
    pl.kernel,
    mesh=_mesh,
    out_type=jax.ShapeDtypeStruct((NC, NT_DEG), jnp.float32),
    scratch_types=[
        pltpu.VMEM((NCH, CH), jnp.int32),
        pltpu.VMEM((CH,), jnp.float32),
        pltpu.VMEM((CH,), jnp.float32),
        pltpu.VMEM_SHARED((NT_DEG,), jnp.float32),
        pltpu.SemaphoreType.DMA,
        pltpu.SemaphoreType.DMA,
    ],
)
def _sc_degree(dstp_hbm, out_hbm, idx_v, ones_v, zero_v, acc, sem_a, sem_b):
    c = lax.axis_index("c")
    s = lax.axis_index("s")
    idx_copy = pltpu.make_async_copy(dstp_hbm.at[c, s], idx_v, sem_b)
    idx_copy.start()
    one = jnp.ones((16,), jnp.float32)
    for k in range(CH // 16):
        ones_v[pl.ds(16 * k, 16)] = one
    _zero_f32_vec(zero_v, CH)
    for k in range(STRIPE_DEG // CH):
        pltpu.sync_copy(zero_v, acc.at[pl.ds(s * STRIPE_DEG + k * CH, CH)])
    idx_copy.wait()
    plsc.subcore_barrier()

    def scat(j, sem):
        return pltpu.make_async_copy(ones_v, acc.at[idx_v.at[j]], sem)

    scat(0, sem_a).start(add=True)

    def body(jj, carry):
        j0 = 2 * jj
        scat(j0 + 1, sem_b).start(add=True)
        scat(j0, sem_a).wait()

        @pl.when(j0 + 2 < NCH)
        def _():
            scat(j0 + 2, sem_a).start(add=True)

        scat(j0 + 1, sem_b).wait()
        return carry

    lax.fori_loop(0, NCH // 2, body, 0)
    plsc.subcore_barrier()
    pltpu.sync_copy(acc.at[pl.ds(s * STRIPE_DEG, STRIPE_DEG)],
                    out_hbm.at[c, pl.ds(s * STRIPE_DEG, STRIPE_DEG)])


@functools.partial(
    pl.kernel,
    mesh=_mesh,
    out_type=jax.ShapeDtypeStruct((NC, NT, D), jnp.float32),
    scratch_types=[
        pltpu.VMEM((NCH, CH), jnp.int32),
        pltpu.VMEM((CH,), jnp.int32),
        pltpu.VMEM((CH,), jnp.int32),
        pltpu.VMEM((CH, D), jnp.float32),
        pltpu.VMEM((CH, D), jnp.float32),
        pltpu.VMEM_SHARED((NT, D), jnp.float32),
        pltpu.SemaphoreType.DMA,
        pltpu.SemaphoreType.DMA,
        pltpu.SemaphoreType.DMA,
        pltpu.SemaphoreType.DMA,
    ],
)
def _sc_propagate(t_hbm, srcp_hbm, dstp_hbm, out_hbm, src_v, dst_a, dst_b,
                  rows_a, rows_b, acc, sem_a, sem_b, sem_da, sem_db):
    c = lax.axis_index("c")
    s = lax.axis_index("s")
    src_copy = pltpu.make_async_copy(srcp_hbm.at[c, s], src_v, sem_b)
    src_copy.start()
    z = jnp.zeros((16,), jnp.float32)

    def zrow(r, carry):
        for k in range(D // 16):
            rows_a[r, pl.ds(16 * k, 16)] = z
        return carry

    lax.fori_loop(0, CH, zrow, 0)
    for k in range(STRIPE // CH):
        pltpu.sync_copy(rows_a, acc.at[pl.ds(s * STRIPE + k * CH, CH)])
    src_copy.wait()

    def gather(j, buf, sem):
        return pltpu.make_async_copy(t_hbm.at[src_v.at[j]], buf, sem)

    def dst_load(j, buf, sem):
        return pltpu.make_async_copy(dstp_hbm.at[c, s, j], buf, sem)

    gather(0, rows_a, sem_a).start()
    dst_load(0, dst_a, sem_da).start()
    plsc.subcore_barrier()

    def body(jj, carry):
        j0 = 2 * jj
        gather(j0 + 1, rows_b, sem_b).start()
        dst_load(j0 + 1, dst_b, sem_db).start()
        gather(j0, rows_a, sem_a).wait()
        dst_load(j0, dst_a, sem_da).wait()
        pltpu.sync_copy(rows_a, acc.at[dst_a], add=True)

        @pl.when(j0 + 2 < NCH)
        def _():
            gather(j0 + 2, rows_a, sem_a).start()
            dst_load(j0 + 2, dst_a, sem_da).start()

        gather(j0 + 1, rows_b, sem_b).wait()
        dst_load(j0 + 1, dst_b, sem_db).wait()
        pltpu.sync_copy(rows_b, acc.at[dst_b], add=True)
        return carry

    lax.fori_loop(0, NCH // 2, body, 0)
    plsc.subcore_barrier()
    pltpu.sync_copy(acc.at[pl.ds(s * STRIPE, STRIPE)],
                    out_hbm.at[c, pl.ds(s * STRIPE, STRIPE)])


def _tc_matmul(x_ref, w_ref, h_ref):
    h_ref[...] = jnp.dot(x_ref[...], w_ref[...],
                         preferred_element_type=jnp.float32)


def _tc_scale(h_ref, dg_ref, t_ref, dis_ref):
    deg = dg_ref[0] + dg_ref[1] + 1.0
    dis = lax.rsqrt(deg)
    t_ref[...] = h_ref[...] * dis
    dis_ref[...] = dis


def _tc_mid(pa_ref, pb_ref, t_ref, dis_ref, b_ref, w_ref, o_ref):
    dis = dis_ref[...]
    h = dis * (pa_ref[0] + pb_ref[0] + t_ref[...]) + b_ref[...]
    h = jnp.maximum(h, 0.0)
    o_ref[...] = jnp.dot(h, w_ref[...], preferred_element_type=jnp.float32) * dis


def _tc_last(pa_ref, pb_ref, t_ref, dis_ref, b_ref, w_ref, bfc_ref, o_ref):
    dis = dis_ref[...]
    h = dis * (pa_ref[0] + pb_ref[0] + t_ref[...]) + b_ref[...]
    o_ref[...] = (jnp.dot(h, w_ref[...], preferred_element_type=jnp.float32)
                  + bfc_ref[...])


_row_spec = pl.BlockSpec((ROW_BLK, D), lambda i: (i, 0))
_col_spec = pl.BlockSpec((ROW_BLK, 1), lambda i: (i, 0))
_w_spec = pl.BlockSpec((D, D), lambda i: (0, 0))
_b_spec = pl.BlockSpec((1, D), lambda i: (0, 0))
_pa_spec = pl.BlockSpec((1, ROW_BLK, D), lambda i: (0, i, 0))
_pb_spec = pl.BlockSpec((1, ROW_BLK, D), lambda i: (1, i, 0))
_dg_spec = pl.BlockSpec((2, ROW_BLK, 1), lambda i: (0, i, 0))
_GRID = (N // ROW_BLK,)


def _first_matmul(x, W1):
    return pl.pallas_call(
        _tc_matmul,
        grid=_GRID,
        in_specs=[_row_spec, _w_spec],
        out_specs=_row_spec,
        out_shape=jax.ShapeDtypeStruct((N, D), jnp.float32),
    )(x, W1)


def _first_scale(h1, degp):
    return pl.pallas_call(
        _tc_scale,
        grid=_GRID,
        in_specs=[_row_spec, _dg_spec],
        out_specs=[_row_spec, _col_spec],
        out_shape=[jax.ShapeDtypeStruct((N, D), jnp.float32),
                   jax.ShapeDtypeStruct((N, 1), jnp.float32)],
    )(h1, degp)


def _mid_layer(p, t, dis, b1, W2):
    return pl.pallas_call(
        _tc_mid,
        grid=_GRID,
        in_specs=[_pa_spec, _pb_spec,
                  _row_spec, _col_spec, _b_spec, _w_spec],
        out_specs=_row_spec,
        out_shape=jax.ShapeDtypeStruct((N, D), jnp.float32),
    )(p, p, t, dis, b1, W2)


def _last_layer(p, t, dis, b2, Wfc, bfc):
    return pl.pallas_call(
        _tc_last,
        grid=_GRID,
        in_specs=[_pa_spec, _pb_spec,
                  _row_spec, _col_spec, _b_spec,
                  pl.BlockSpec((D, D_OUT), lambda i: (0, 0)),
                  pl.BlockSpec((1, D_OUT), lambda i: (0, 0))],
        out_specs=pl.BlockSpec((ROW_BLK, D_OUT), lambda i: (i, 0)),
        out_shape=jax.ShapeDtypeStruct((N, D_OUT), jnp.float32),
    )(p, p, t, dis, b2, Wfc, bfc)


def kernel(x, edge_index, W1, b1, W2, b2, Wfc, bfc):
    pad = EP - E
    pad_src = (jnp.arange(pad, dtype=jnp.int32) * 37) % N
    pad_dst = N + (jnp.arange(pad, dtype=jnp.int32) % (NT - N))
    srcp = jnp.concatenate([edge_index[0], pad_src]).reshape(NC, NS, NCH, CH)
    dstp = jnp.concatenate([edge_index[1], pad_dst]).reshape(NC, NS, NCH, CH)

    h1 = _first_matmul(x, W1)
    degp = _sc_degree(dstp).reshape(NC, NT_DEG, 1)
    t1, dis = _first_scale(h1, degp)
    p1 = _sc_propagate(t1, srcp, dstp)
    t2 = _mid_layer(p1, t1, dis, b1.reshape(1, D), W2)
    p2 = _sc_propagate(t2, srcp, dstp)
    return _last_layer(p2, t2, dis, b2.reshape(1, D),
                       Wfc, bfc.reshape(1, D_OUT))

# --- scband reference (transcript-rebuilt; emitter-appended) ---
"""Pipeline reference for scband-gcnnode-classifier-9466107920639 (READ-ONLY COPY).

The authoritative reference and input builder live on the scoring server;
editing this copy changes nothing except your own understanding.
"""

import jax, jax.numpy as jnp
import numpy as np

N = 10000
E = 320000
D_IN = 128
D_H = 128
D_OUT = 64


def setup_inputs(seed: int = 0) -> dict:
    key = jax.random.key(seed)
    ks = jax.random.split(key, 8)
    x = jax.random.normal(ks[0], (N, D_IN), dtype=jnp.float32)
    edge_index = jax.random.randint(ks[1], (2, E), 0, N, dtype=jnp.int32)
    W1 = jax.random.normal(ks[2], (D_IN, D_H), dtype=jnp.float32) * (1.0 / np.sqrt(D_IN))
    b1 = jnp.zeros((D_H,), dtype=jnp.float32)
    W2 = jax.random.normal(ks[3], (D_H, D_H), dtype=jnp.float32) * (1.0 / np.sqrt(D_H))
    b2 = jnp.zeros((D_H,), dtype=jnp.float32)
    Wfc = jax.random.normal(ks[4], (D_H, D_OUT), dtype=jnp.float32) * (1.0 / np.sqrt(D_H))
    bfc = jnp.zeros((D_OUT,), dtype=jnp.float32)
    return {"x": x, "edge_index": edge_index, "W1": W1, "b1": b1, "W2": W2, "b2": b2, "Wfc": Wfc, "bfc": bfc}


def _gcn_conv(x, src, dst, norm, W, b):
    # PyG GCNConv: h = x @ W; out[dst] += norm * h[src]; out += b
    h = x @ W
    msg = jnp.take(h, src, axis=0) * norm[:, None]
    out = jax.ops.segment_sum(msg, dst, num_segments=N)
    return out + b


def reference(x, edge_index, W1, b1, W2, b2, Wfc, bfc):
    # add self-loops
    loop = jnp.arange(N, dtype=edge_index.dtype)
    src = jnp.concatenate([edge_index[0], loop])
    dst = jnp.concatenate([edge_index[1], loop])
    # symmetric normalization deg^{-1/2}[src] * deg^{-1/2}[dst]
    deg = jax.ops.segment_sum(jnp.ones_like(dst, dtype=jnp.float32), dst, num_segments=N)
    dis = jnp.where(deg > 0, 1.0 / jnp.sqrt(deg), 0.0)
    norm = jnp.take(dis, src) * jnp.take(dis, dst)

    h = _gcn_conv(x, src, dst, norm, W1, b1)
    h = jax.nn.relu(h)
    h = _gcn_conv(h, src, dst, norm, W2, b2)
    return h @ Wfc + bfc

if __name__ == "__main__":
    import jax
    _d = setup_inputs()
    print(jax.jit(kernel)(*tuple(_d.values())))

</pallas_src>

<mosaic_0001>
#map = affine_map<(d0, d1) -> (0, 0)>
#map1 = affine_map<(d0, d1) -> (0, 0, 0, 0)>
#map2 = affine_map<(d0, d1) -> (0, 0, 0)>
module attributes {stable_mosaic.version = 14 : i64} {
  func.func @_sc_propagate(%arg0: i32, %arg1: i32, %arg2: memref<10000x128xf32, #tpu.memory_space<hbm>>, %arg3: memref<2x16x80x128xi32, #tpu.memory_space<hbm>>, %arg4: memref<2x16x80x128xi32, #tpu.memory_space<hbm>>, %arg5: memref<2x10240x128xf32, #tpu.memory_space<hbm>>, %arg6: memref<80x128xi32, #tpu.memory_space<vmem>>, %arg7: memref<128xi32, #tpu.memory_space<vmem>>, %arg8: memref<128xi32, #tpu.memory_space<vmem>>, %arg9: memref<128x128xf32, #tpu.memory_space<vmem>>, %arg10: memref<128x128xf32, #tpu.memory_space<vmem>>, %arg11: memref<10240x128xf32, #tpu.memory_space<vmem_shared>>, %arg12: memref<!tpu.dma_semaphore, #tpu.memory_space<semaphore_mem>>, %arg13: memref<!tpu.dma_semaphore, #tpu.memory_space<semaphore_mem>>, %arg14: memref<!tpu.dma_semaphore, #tpu.memory_space<semaphore_mem>>, %arg15: memref<!tpu.dma_semaphore, #tpu.memory_space<semaphore_mem>>) attributes {dimension_semantics = [#tpu.dimension_semantics<core_parallel>, #tpu.dimension_semantics<subcore_parallel>], iteration_bounds = array<i64: 2, 16>, scalar_prefetch = 0 : i64, scratch_operands = 10 : i64, tpu.core_type = #tpu.core_type<sc_vector_subcore>, window_params = [{transform_indices = #map}, {transform_indices = #map1}, {transform_indices = #map1}, {transform_indices = #map2}]} {
    %dma_start3A = arith.constant 0 : i32
    %dma_start3A_0 = arith.constant 0 : i32
    %dma_start3A_1 = tpu.memref_slice %arg3[%arg0, %arg1, %dma_start3A, %dma_start3A_0] : memref<2x16x80x128xi32, #tpu.memory_space<hbm>> -> memref<1x1x80x128xi32, #tpu.memory_space<hbm>>
    %dma_start3A_2 = tpu.memref_squeeze %dma_start3A_1 : memref<1x1x80x128xi32, #tpu.memory_space<hbm>> -> memref<80x128xi32, #tpu.memory_space<hbm>>
    %dma_start3A_3 = arith.constant 0 : i32
    %dma_start3A_4 = arith.constant 0 : i32
    %dma_start3A_5 = tpu.memref_slice %arg3[%arg0, %arg1, %dma_start3A_3, %dma_start3A_4] : memref<2x16x80x128xi32, #tpu.memory_space<hbm>> -> memref<1x1x80x128xi32, #tpu.memory_space<hbm>>
    %dma_start3A_6 = tpu.memref_squeeze %dma_start3A_5 : memref<1x1x80x128xi32, #tpu.memory_space<hbm>> -> memref<80x128xi32, #tpu.memory_space<hbm>>
    tpu.enqueue_dma source(%dma_start3A_6 : memref<80x128xi32, #tpu.memory_space<hbm>>) target(%arg6 : memref<80x128xi32, #tpu.memory_space<vmem>>) target_semaphore(%arg13 : memref<!tpu.dma_semaphore, #tpu.memory_space<semaphore_mem>>)
    %broadcast_in_dim3A = arith.constant 0.000000e+00 : f32
    %broadcast_in_dim3A_7 = vector.broadcast %broadcast_in_dim3A : f32 to vector<16xf32>
    %scan3A = arith.constant 0 : i32
    %scan3A_8 = arith.constant 0 : i32
    %scan3A_9 = arith.constant 128 : i32
    %scan3A_10 = arith.addi %scan3A_8, %scan3A_9 : i32
    %scan3A_11 = arith.constant 1 : i32
    scf.for %scan3A_63 = %scan3A_8 to %scan3A_10 step %scan3A_11  : i32 {
      %swap3A = arith.index_cast %scan3A_63 : i32 to index
      %swap3A_64 = arith.constant 0 : index
      %swap3A_65 = tpu.vector_load %arg9[%swap3A, %swap3A_64] {strides = array<i32>} : memref<128x128xf32, #tpu.memory_space<vmem>>, vector<1x16xf32>,
      %swap3A_66 = vector.shape_cast %swap3A_65 : vector<1x16xf32> to vector<16xf32>
      %swap3A_67 = vector.shape_cast %broadcast_in_dim3A_7 : vector<16xf32> to vector<1x16xf32>
      tpu.vector_store %arg9[%swap3A, %swap3A_64], %swap3A_67 {strides = array<i32>} : memref<128x128xf32, #tpu.memory_space<vmem>>, vector<1x16xf32>,
      %swap3A_68 = arith.index_cast %scan3A_63 : i32 to index
      %swap3A_69 = arith.constant 16 : index
      %swap3A_70 = tpu.vector_load %arg9[%swap3A_68, %swap3A_69] {strides = array<i32>} : memref<128x128xf32, #tpu.memory_space<vmem>>, vector<1x16xf32>,
      %swap3A_71 = vector.shape_cast %swap3A_70 : vector<1x16xf32> to vector<16xf32>
      %swap3A_72 = vector.shape_cast %broadcast_in_dim3A_7 : vector<16xf32> to vector<1x16xf32>
      tpu.vector_store %arg9[%swap3A_68, %swap3A_69], %swap3A_72 {strides = array<i32>} : memref<128x128xf32, #tpu.memory_space<vmem>>, vector<1x16xf32>,
      %swap3A_73 = arith.index_cast %scan3A_63 : i32 to index
      %swap3A_74 = arith.constant 32 : index
      %swap3A_75 = tpu.vector_load %arg9[%swap3A_73, %swap3A_74] {strides = array<i32>} : memref<128x128xf32, #tpu.memory_space<vmem>>, vector<1x16xf32>,
      %swap3A_76 = vector.shape_cast %swap3A_75 : vector<1x16xf32> to vector<16xf32>
      %swap3A_77 = vector.shape_cast %broadcast_in_dim3A_7 : vector<16xf32> to vector<1x16xf32>
      tpu.vector_store %arg9[%swap3A_73, %swap3A_74], %swap3A_77 {strides = array<i32>} : memref<128x128xf32, #tpu.memory_space<vmem>>, vector<1x16xf32>,
      %swap3A_78 = arith.index_cast %scan3A_63 : i32 to index
      %swap3A_79 = arith.constant 48 : index
      %swap3A_80 = tpu.vector_load %arg9[%swap3A_78, %swap3A_79] {strides = array<i32>} : memref<128x128xf32, #tpu.memory_space<vmem>>, vector<1x16xf32>,
      %swap3A_81 = vector.shape_cast %swap3A_80 : vector<1x16xf32> to vector<16xf32>
      %swap3A_82 = vector.shape_cast %broadcast_in_dim3A_7 : vector<16xf32> to vector<1x16xf32>
      tpu.vector_store %arg9[%swap3A_78, %swap3A_79], %swap3A_82 {strides = array<i32>} : memref<128x128xf32, #tpu.memory_space<vmem>>, vector<1x16xf32>,
      %swap3A_83 = arith.index_cast %scan3A_63 : i32 to index
      %swap3A_84 = arith.constant 64 : index
      %swap3A_85 = tpu.vector_load %arg9[%swap3A_83, %swap3A_84] {strides = array<i32>} : memref<128x128xf32, #tpu.memory_space<vmem>>, vector<1x16xf32>,
      %swap3A_86 = vector.shape_cast %swap3A_85 : vector<1x16xf32> to vector<16xf32>
      %swap3A_87 = vector.shape_cast %broadcast_in_dim3A_7 : vector<16xf32> to vector<1x16xf32>
      tpu.vector_store %arg9[%swap3A_83, %swap3A_84], %swap3A_87 {strides = array<i32>} : memref<128x128xf32, #tpu.memory_space<vmem>>, vector<1x16xf32>,
      %swap3A_88 = arith.index_cast %scan3A_63 : i32 to index
      %swap3A_89 = arith.constant 80 : index
      %swap3A_90 = tpu.vector_load %arg9[%swap3A_88, %swap3A_89] {strides = array<i32>} : memref<128x128xf32, #tpu.memory_space<vmem>>, vector<1x16xf32>,
      %swap3A_91 = vector.shape_cast %swap3A_90 : vector<1x16xf32> to vector<16xf32>
      %swap3A_92 = vector.shape_cast %broadcast_in_dim3A_7 : vector<16xf32> to vector<1x16xf32>
      tpu.vector_store %arg9[%swap3A_88, %swap3A_89], %swap3A_92 {strides = array<i32>} : memref<128x128xf32, #tpu.memory_space<vmem>>, vector<1x16xf32>,
      %swap3A_93 = arith.index_cast %scan3A_63 : i32 to index
      %swap3A_94 = arith.constant 96 : index
      %swap3A_95 = tpu.vector_load %arg9[%swap3A_93, %swap3A_94] {strides = array<i32>} : memref<128x128xf32, #tpu.memory_space<vmem>>, vector<1x16xf32>,
      %swap3A_96 = vector.shape_cast %swap3A_95 : vector<1x16xf32> to vector<16xf32>
      %swap3A_97 = vector.shape_cast %broadcast_in_dim3A_7 : vector<16xf32> to vector<1x16xf32>
      tpu.vector_store %arg9[%swap3A_93, %swap3A_94], %swap3A_97 {strides = array<i32>} : memref<128x128xf32, #tpu.memory_space<vmem>>, vector<1x16xf32>,
      %swap3A_98 = arith.index_cast %scan3A_63 : i32 to index
      %swap3A_99 = arith.constant 112 : index
      %swap3A_100 = tpu.vector_load %arg9[%swap3A_98, %swap3A_99] {strides = array<i32>} : memref<128x128xf32, #tpu.memory_space<vmem>>, vector<1x16xf32>,
      %swap3A_101 = vector.shape_cast %swap3A_100 : vector<1x16xf32> to vector<16xf32>
      %swap3A_102 = vector.shape_cast %broadcast_in_dim3A_7 : vector<16xf32> to vector<1x16xf32>
      tpu.vector_store %arg9[%swap3A_98, %swap3A_99], %swap3A_102 {strides = array<i32>} : memref<128x128xf32, #tpu.memory_space<vmem>>, vector<1x16xf32>,
    }
    %scan3A_12 = arith.constant 128 : i32
    %mul3A = arith.constant 640 : i32
    %mul3A_13 = arith.muli %arg1, %mul3A : i32
    %add3A = arith.constant 0 : i32
    %add3A_14 = arith.addi %mul3A_13, %add3A : i32
    "tpu.region"() ({
      %run_scoped3A = tpu.sem_alloc : memref<!tpu.dma_semaphore, #tpu.memory_space<semaphore_mem>>
      %dma_start3A_63 = arith.constant 0 : i32
      %dma_start3A_64 = tpu.memref_slice %arg11[%add3A_14, %dma_start3A_63] : memref<10240x128xf32, #tpu.memory_space<vmem_shared>> -> memref<128x128xf32, #tpu.memory_space<vmem_shared>>
      %dma_start3A_65 = arith.constant 0 : i32
      %dma_start3A_66 = tpu.memref_slice %arg11[%add3A_14, %dma_start3A_65] : memref<10240x128xf32, #tpu.memory_space<vmem_shared>> -> memref<128x128xf32, #tpu.memory_space<vmem_shared>>
      tpu.enqueue_dma source(%arg9 : memref<128x128xf32, #tpu.memory_space<vmem>>) target(%dma_start3A_66 : memref<128x128xf32, #tpu.memory_space<vmem_shared>>) target_semaphore(%run_scoped3A : memref<!tpu.dma_semaphore, #tpu.memory_space<semaphore_mem>>)
      %dma_wait3A_67 = arith.constant 0 : i32
      %dma_wait3A_68 = tpu.memref_slice %arg11[%add3A_14, %dma_wait3A_67] : memref<10240x128xf32, #tpu.memory_space<vmem_shared>> -> memref<128x128xf32, #tpu.memory_space<vmem_shared>>
      %dma_wait3A_69 = arith.constant 0 : i32
      %dma_wait3A_70 = tpu.memref_slice %arg11[%add3A_14, %dma_wait3A_69] : memref<10240x128xf32, #tpu.memory_space<vmem_shared>> -> memref<128x128xf32, #tpu.memory_space<vmem_shared>>
      tpu.wait_dma2 semaphore(%run_scoped3A : memref<!tpu.dma_semaphore, #tpu.memory_space<semaphore_mem>>) src(%arg9 : memref<128x128xf32, #tpu.memory_space<vmem>>) dst(%dma_wait3A_70 : memref<128x128xf32, #tpu.memory_space<vmem_shared>>)
      tpu.yield
    }) : () -> ()
    %mul3A_15 = arith.constant 640 : i32
    %mul3A_16 = arith.muli %arg1, %mul3A_15 : i32
    %add3A_17 = arith.constant 128 : i32
    %add3A_18 = arith.addi %mul3A_16, %add3A_17 : i32
    "tpu.region"() ({
      %run_scoped3A = tpu.sem_alloc : memref<!tpu.dma_semaphore, #tpu.memory_space<semaphore_mem>>
      %dma_start3A_63 = arith.constant 0 : i32
      %dma_start3A_64 = tpu.memref_slice %arg11[%add3A_18, %dma_start3A_63] : memref<10240x128xf32, #tpu.memory_space<vmem_shared>> -> memref<128x128xf32, #tpu.memory_space<vmem_shared>>
      %dma_start3A_65 = arith.constant 0 : i32
      %dma_start3A_66 = tpu.memref_slice %arg11[%add3A_18, %dma_start3A_65] : memref<10240x128xf32, #tpu.memory_space<vmem_shared>> -> memref<128x128xf32, #tpu.memory_space<vmem_shared>>
      tpu.enqueue_dma source(%arg9 : memref<128x128xf32, #tpu.memory_space<vmem>>) target(%dma_start3A_66 : memref<128x128xf32, #tpu.memory_space<vmem_shared>>) target_semaphore(%run_scoped3A : memref<!tpu.dma_semaphore, #tpu.memory_space<semaphore_mem>>)
      %dma_wait3A_67 = arith.constant 0 : i32
      %dma_wait3A_68 = tpu.memref_slice %arg11[%add3A_18, %dma_wait3A_67] : memref<10240x128xf32, #tpu.memory_space<vmem_shared>> -> memref<128x128xf32, #tpu.memory_space<vmem_shared>>
      %dma_wait3A_69 = arith.constant 0 : i32
      %dma_wait3A_70 = tpu.memref_slice %arg11[%add3A_18, %dma_wait3A_69] : memref<10240x128xf32, #tpu.memory_space<vmem_shared>> -> memref<128x128xf32, #tpu.memory_space<vmem_shared>>
      tpu.wait_dma2 semaphore(%run_scoped3A : memref<!tpu.dma_semaphore, #tpu.memory_space<semaphore_mem>>) src(%arg9 : memref<128x128xf32, #tpu.memory_space<vmem>>) dst(%dma_wait3A_70 : memref<128x128xf32, #tpu.memory_space<vmem_shared>>)
      tpu.yield
    }) : () -> ()
    %mul3A_19 = arith.constant 640 : i32
    %mul3A_20 = arith.muli %arg1, %mul3A_19 : i32
    %add3A_21 = arith.constant 256 : i32
    %add3A_22 = arith.addi %mul3A_20, %add3A_21 : i32
    "tpu.region"() ({
      %run_scoped3A = tpu.sem_alloc : memref<!tpu.dma_semaphore, #tpu.memory_space<semaphore_mem>>
      %dma_start3A_63 = arith.constant 0 : i32
      %dma_start3A_64 = tpu.memref_slice %arg11[%add3A_22, %dma_start3A_63] : memref<10240x128xf32, #tpu.memory_space<vmem_shared>> -> memref<128x128xf32, #tpu.memory_space<vmem_shared>>
      %dma_start3A_65 = arith.constant 0 : i32
      %dma_start3A_66 = tpu.memref_slice %arg11[%add3A_22, %dma_start3A_65] : memref<10240x128xf32, #tpu.memory_space<vmem_shared>> -> memref<128x128xf32, #tpu.memory_space<vmem_shared>>
      tpu.enqueue_dma source(%arg9 : memref<128x128xf32, #tpu.memory_space<vmem>>) target(%dma_start3A_66 : memref<128x128xf32, #tpu.memory_space<vmem_shared>>) target_semaphore(%run_scoped3A : memref<!tpu.dma_semaphore, #tpu.memory_space<semaphore_mem>>)
      %dma_wait3A_67 = arith.constant 0 : i32
      %dma_wait3A_68 = tpu.memref_slice %arg11[%add3A_22, %dma_wait3A_67] : memref<10240x128xf32, #tpu.memory_space<vmem_shared>> -> memref<128x128xf32, #tpu.memory_space<vmem_shared>>
      %dma_wait3A_69 = arith.constant 0 : i32
      %dma_wait3A_70 = tpu.memref_slice %arg11[%add3A_22, %dma_wait3A_69] : memref<10240x128xf32, #tpu.memory_space<vmem_shared>> -> memref<128x128xf32, #tpu.memory_space<vmem_shared>>
      tpu.wait_dma2 semaphore(%run_scoped3A : memref<!tpu.dma_semaphore, #tpu.memory_space<semaphore_mem>>) src(%arg9 : memref<128x128xf32, #tpu.memory_space<vmem>>) dst(%dma_wait3A_70 : memref<128x128xf32, #tpu.memory_space<vmem_shared>>)
      tpu.yield
    }) : () -> ()
    %mul3A_23 = arith.constant 640 : i32
    %mul3A_24 = arith.muli %arg1, %mul3A_23 : i32
    %add3A_25 = arith.constant 384 : i32
    %add3A_26 = arith.addi %mul3A_24, %add3A_25 : i32
    "tpu.region"() ({
      %run_scoped3A = tpu.sem_alloc : memref<!tpu.dma_semaphore, #tpu.memory_space<semaphore_mem>>
      %dma_start3A_63 = arith.constant 0 : i32
      %dma_start3A_64 = tpu.memref_slice %arg11[%add3A_26, %dma_start3A_63] : memref<10240x128xf32, #tpu.memory_space<vmem_shared>> -> memref<128x128xf32, #tpu.memory_space<vmem_shared>>
      %dma_start3A_65 = arith.constant 0 : i32
      %dma_start3A_66 = tpu.memref_slice %arg11[%add3A_26, %dma_start3A_65] : memref<10240x128xf32, #tpu.memory_space<vmem_shared>> -> memref<128x128xf32, #tpu.memory_space<vmem_shared>>
      tpu.enqueue_dma source(%arg9 : memref<128x128xf32, #tpu.memory_space<vmem>>) target(%dma_start3A_66 : memref<128x128xf32, #tpu.memory_space<vmem_shared>>) target_semaphore(%run_scoped3A : memref<!tpu.dma_semaphore, #tpu.memory_space<semaphore_mem>>)
      %dma_wait3A_67 = arith.constant 0 : i32
      %dma_wait3A_68 = tpu.memref_slice %arg11[%add3A_26, %dma_wait3A_67] : memref<10240x128xf32, #tpu.memory_space<vmem_shared>> -> memref<128x128xf32, #tpu.memory_space<vmem_shared>>
      %dma_wait3A_69 = arith.constant 0 : i32
      %dma_wait3A_70 = tpu.memref_slice %arg11[%add3A_26, %dma_wait3A_69] : memref<10240x128xf32, #tpu.memory_space<vmem_shared>> -> memref<128x128xf32, #tpu.memory_space<vmem_shared>>
      tpu.wait_dma2 semaphore(%run_scoped3A : memref<!tpu.dma_semaphore, #tpu.memory_space<semaphore_mem>>) src(%arg9 : memref<128x128xf32, #tpu.memory_space<vmem>>) dst(%dma_wait3A_70 : memref<128x128xf32, #tpu.memory_space<vmem_shared>>)
      tpu.yield
    }) : () -> ()
    %mul3A_27 = arith.constant 640 : i32
    %mul3A_28 = arith.muli %arg1, %mul3A_27 : i32
    %add3A_29 = arith.constant 512 : i32
    %add3A_30 = arith.addi %mul3A_28, %add3A_29 : i32
    "tpu.region"() ({
      %run_scoped3A = tpu.sem_alloc : memref<!tpu.dma_semaphore, #tpu.memory_space<semaphore_mem>>
      %dma_start3A_63 = arith.constant 0 : i32
      %dma_start3A_64 = tpu.memref_slice %arg11[%add3A_30, %dma_start3A_63] : memref<10240x128xf32, #tpu.memory_space<vmem_shared>> -> memref<128x128xf32, #tpu.memory_space<vmem_shared>>
      %dma_start3A_65 = arith.constant 0 : i32
      %dma_start3A_66 = tpu.memref_slice %arg11[%add3A_30, %dma_start3A_65] : memref<10240x128xf32, #tpu.memory_space<vmem_shared>> -> memref<128x128xf32, #tpu.memory_space<vmem_shared>>
      tpu.enqueue_dma source(%arg9 : memref<128x128xf32, #tpu.memory_space<vmem>>) target(%dma_start3A_66 : memref<128x128xf32, #tpu.memory_space<vmem_shared>>) target_semaphore(%run_scoped3A : memref<!tpu.dma_semaphore, #tpu.memory_space<semaphore_mem>>)
      %dma_wait3A_67 = arith.constant 0 : i32
      %dma_wait3A_68 = tpu.memref_slice %arg11[%add3A_30, %dma_wait3A_67] : memref<10240x128xf32, #tpu.memory_space<vmem_shared>> -> memref<128x128xf32, #tpu.memory_space<vmem_shared>>
      %dma_wait3A_69 = arith.constant 0 : i32
      %dma_wait3A_70 = tpu.memref_slice %arg11[%add3A_30, %dma_wait3A_69] : memref<10240x128xf32, #tpu.memory_space<vmem_shared>> -> memref<128x128xf32, #tpu.memory_space<vmem_shared>>
      tpu.wait_dma2 semaphore(%run_scoped3A : memref<!tpu.dma_semaphore, #tpu.memory_space<semaphore_mem>>) src(%arg9 : memref<128x128xf32, #tpu.memory_space<vmem>>) dst(%dma_wait3A_70 : memref<128x128xf32, #tpu.memory_space<vmem_shared>>)
      tpu.yield
    }) : () -> ()
    %dma_wait3A = arith.constant 0 : i32
    %dma_wait3A_31 = arith.constant 0 : i32
    %dma_wait3A_32 = tpu.memref_slice %arg3[%arg0, %arg1, %dma_wait3A, %dma_wait3A_31] : memref<2x16x80x128xi32, #tpu.memory_space<hbm>> -> memref<1x1x80x128xi32, #tpu.memory_space<hbm>>
    %dma_wait3A_33 = tpu.memref_squeeze %dma_wait3A_32 : memref<1x1x80x128xi32, #tpu.memory_space<hbm>> -> memref<80x128xi32, #tpu.memory_space<hbm>>
    %dma_wait3A_34 = arith.constant 0 : i32
    %dma_wait3A_35 = arith.constant 0 : i32
    %dma_wait3A_36 = tpu.memref_slice %arg3[%arg0, %arg1, %dma_wait3A_34, %dma_wait3A_35] : memref<2x16x80x128xi32, #tpu.memory_space<hbm>> -> memref<1x1x80x128xi32, #tpu.memory_space<hbm>>
    %dma_wait3A_37 = tpu.memref_squeeze %dma_wait3A_36 : memref<1x1x80x128xi32, #tpu.memory_space<hbm>> -> memref<80x128xi32, #tpu.memory_space<hbm>>
    tpu.wait_dma2 semaphore(%arg13 : memref<!tpu.dma_semaphore, #tpu.memory_space<semaphore_mem>>) src(%dma_wait3A_37 : memref<80x128xi32, #tpu.memory_space<hbm>>) dst(%arg6 : memref<80x128xi32, #tpu.memory_space<vmem>>)
    %dma_start3A_38 = arith.constant 0 : i32
    %dma_start3A_39 = arith.constant 0 : i32
    %dma_start3A_40 = tpu.memref_slice %arg6[%dma_start3A_38, %dma_start3A_39] : memref<80x128xi32, #tpu.memory_space<vmem>> -> memref<1x128xi32, #tpu.memory_space<vmem>>
    %dma_start3A_41 = tpu.memref_squeeze %dma_start3A_40 : memref<1x128xi32, #tpu.memory_space<vmem>> -> memref<128xi32, #tpu.memory_space<vmem>>
    %dma_start3A_42 = arith.constant 0 : i32
    %dma_start3A_43 = arith.constant 0 : i32
    %dma_start3A_44 = tpu.memref_slice %arg2[%dma_start3A_42, %dma_start3A_43] : memref<10000x128xf32, #tpu.memory_space<hbm>> -> memref<10000x128xf32, #tpu.memory_space<hbm>>
    tpu.enqueue_indirect_dma source(%dma_start3A_44 : memref<10000x128xf32, #tpu.memory_space<hbm>>) target(%arg9 : memref<128x128xf32, #tpu.memory_space<vmem>>) offsets(%dma_start3A_41 : memref<128xi32, #tpu.memory_space<vmem>>) semaphore(%arg12 : memref<!tpu.dma_semaphore, #tpu.memory_space<semaphore_mem>>)
    %dma_start3A_45 = arith.constant 0 : i32
    %dma_start3A_46 = arith.constant 0 : i32
    %dma_start3A_47 = tpu.memref_slice %arg4[%arg0, %arg1, %dma_start3A_45, %dma_start3A_46] : memref<2x16x80x128xi32, #tpu.memory_space<hbm>> -> memref<1x1x1x128xi32, #tpu.memory_space<hbm>>
    %dma_start3A_48 = tpu.memref_squeeze %dma_start3A_47 : memref<1x1x1x128xi32, #tpu.memory_space<hbm>> -> memref<128xi32, #tpu.memory_space<hbm>>
    %dma_start3A_49 = arith.constant 0 : i32
    %dma_start3A_50 = tpu.memref_slice %arg4[%arg0, %arg1, %dma_start3A_45, %dma_start3A_49] : memref<2x16x80x128xi32, #tpu.memory_space<hbm>> -> memref<1x1x1x128xi32, #tpu.memory_space<hbm>>
    %dma_start3A_51 = tpu.memref_squeeze %dma_start3A_50 : memref<1x1x1x128xi32, #tpu.memory_space<hbm>> -> memref<128xi32, #tpu.memory_space<hbm>>
    tpu.enqueue_dma source(%dma_start3A_51 : memref<128xi32, #tpu.memory_space<hbm>>) target(%arg7 : memref<128xi32, #tpu.memory_space<vmem>>) target_semaphore(%arg14 : memref<!tpu.dma_semaphore, #tpu.memory_space<semaphore_mem>>)
    %barrier3A = arith.constant 0 : index
    tpu.barrier barrier_id(%barrier3A)
    %scan3A_52 = arith.constant 0 : i32
    %scan3A_53 = arith.constant 0 : i32
    %scan3A_54 = arith.constant 40 : i32
    %scan3A_55 = arith.addi %scan3A_53, %scan3A_54 : i32
    %scan3A_56 = arith.constant 1 : i32
    scf.for %scan3A_63 = %scan3A_53 to %scan3A_55 step %scan3A_56  : i32 {
      %mul3A_64 = arith.constant 2 : i32
      %mul3A_65 = arith.muli %mul3A_64, %scan3A_63 : i32
      %add3A_66 = arith.constant 1 : i32
      %add3A_67 = arith.addi %mul3A_65, %add3A_66 : i32
      %dma_start3A_68 = arith.constant 0 : i32
      %dma_start3A_69 = tpu.memref_slice %arg6[%add3A_67, %dma_start3A_68] : memref<80x128xi32, #tpu.memory_space<vmem>> -> memref<1x128xi32, #tpu.memory_space<vmem>>
      %dma_start3A_70 = tpu.memref_squeeze %dma_start3A_69 : memref<1x128xi32, #tpu.memory_space<vmem>> -> memref<128xi32, #tpu.memory_space<vmem>>
      %dma_start3A_71 = arith.constant 0 : i32
      %dma_start3A_72 = arith.constant 0 : i32
      %dma_start3A_73 = tpu.memref_slice %arg2[%dma_start3A_71, %dma_start3A_72] : memref<10000x128xf32, #tpu.memory_space<hbm>> -> memref<10000x128xf32, #tpu.memory_space<hbm>>
      tpu.enqueue_indirect_dma source(%dma_start3A_73 : memref<10000x128xf32, #tpu.memory_space<hbm>>) target(%arg10 : memref<128x128xf32, #tpu.memory_space<vmem>>) offsets(%dma_start3A_70 : memref<128xi32, #tpu.memory_space<vmem>>) semaphore(%arg13 : memref<!tpu.dma_semaphore, #tpu.memory_space<semaphore_mem>>)
      %add3A_74 = arith.constant 1 : i32
      %add3A_75 = arith.addi %mul3A_65, %add3A_74 : i32
      %dma_start3A_76 = arith.constant 0 : i32
      %dma_start3A_77 = tpu.memref_slice %arg4[%arg0, %arg1, %add3A_75, %dma_start3A_76] : memref<2x16x80x128xi32, #tpu.memory_space<hbm>> -> memref<1x1x1x128xi32, #tpu.memory_space<hbm>>
      %dma_start3A_78 = tpu.memref_squeeze %dma_start3A_77 : memref<1x1x1x128xi32, #tpu.memory_space<hbm>> -> memref<128xi32, #tpu.memory_space<hbm>>
      %dma_start3A_79 = arith.constant 0 : i32
      %dma_start3A_80 = tpu.memref_slice %arg4[%arg0, %arg1, %add3A_75, %dma_start3A_79] : memref<2x16x80x128xi32, #tpu.memory_space<hbm>> -> memref<1x1x1x128xi32, #tpu.memory_space<hbm>>
      %dma_start3A_81 = tpu.memref_squeeze %dma_start3A_80 : memref<1x1x1x128xi32, #tpu.memory_space<hbm>> -> memref<128xi32, #tpu.memory_space<hbm>>
      tpu.enqueue_dma source(%dma_start3A_81 : memref<128xi32, #tpu.memory_space<hbm>>) target(%arg8 : memref<128xi32, #tpu.memory_space<vmem>>) target_semaphore(%arg15 : memref<!tpu.dma_semaphore, #tpu.memory_space<semaphore_mem>>)
      %dma_wait3A_82 = arith.constant 0 : i32
      %dma_wait3A_83 = tpu.memref_slice %arg6[%mul3A_65, %dma_wait3A_82] : memref<80x128xi32, #tpu.memory_space<vmem>> -> memref<1x128xi32, #tpu.memory_space<vmem>>
      %dma_wait3A_84 = tpu.memref_squeeze %dma_wait3A_83 : memref<1x128xi32, #tpu.memory_space<vmem>> -> memref<128xi32, #tpu.memory_space<vmem>>
      %dma_wait3A_85 = arith.constant 0 : i32
      %dma_wait3A_86 = arith.constant 0 : i32
      %dma_wait3A_87 = tpu.memref_slice %arg2[%dma_wait3A_85, %dma_wait3A_86] : memref<10000x128xf32, #tpu.memory_space<hbm>> -> memref<10000x128xf32, #tpu.memory_space<hbm>>
      tpu.wait_indirect_dma semaphore(%arg12 : memref<!tpu.dma_semaphore, #tpu.memory_space<semaphore_mem>>) src(%dma_wait3A_87 : memref<10000x128xf32, #tpu.memory_space<hbm>>) dst(%arg9 : memref<128x128xf32, #tpu.memory_space<vmem>>)
      %dma_wait3A_88 = arith.constant 0 : i32
      %dma_wait3A_89 = tpu.memref_slice %arg4[%arg0, %arg1, %mul3A_65, %dma_wait3A_88] : memref<2x16x80x128xi32, #tpu.memory_space<hbm>> -> memref<1x1x1x128xi32, #tpu.memory_space<hbm>>
      %dma_wait3A_90 = tpu.memref_squeeze %dma_wait3A_89 : memref<1x1x1x128xi32, #tpu.memory_space<hbm>> -> memref<128xi32, #tpu.memory_space<hbm>>
      %dma_wait3A_91 = arith.constant 0 : i32
      %dma_wait3A_92 = tpu.memref_slice %arg4[%arg0, %arg1, %mul3A_65, %dma_wait3A_91] : memref<2x16x80x128xi32, #tpu.memory_space<hbm>> -> memref<1x1x1x128xi32, #tpu.memory_space<hbm>>
      %dma_wait3A_93 = tpu.memref_squeeze %dma_wait3A_92 : memref<1x1x1x128xi32, #tpu.memory_space<hbm>> -> memref<128xi32, #tpu.memory_space<hbm>>
      tpu.wait_dma2 semaphore(%arg14 : memref<!tpu.dma_semaphore, #tpu.memory_space<semaphore_mem>>) src(%dma_wait3A_93 : memref<128xi32, #tpu.memory_space<hbm>>) dst(%arg7 : memref<128xi32, #tpu.memory_space<vmem>>)
      "tpu.region"() ({
        %run_scoped3A = tpu.sem_alloc : memref<!tpu.dma_semaphore, #tpu.memory_space<semaphore_mem>>
        %dma_start3A_114 = arith.constant 0 : i32
        %dma_start3A_115 = arith.constant 0 : i32
        %dma_start3A_116 = tpu.memref_slice %arg11[%dma_start3A_114, %dma_start3A_115] : memref<10240x128xf32, #tpu.memory_space<vmem_shared>> -> memref<10240x128xf32, #tpu.memory_space<vmem_shared>>
        tpu.enqueue_indirect_dma source(%arg9 : memref<128x128xf32, #tpu.memory_space<vmem>>) target(%dma_start3A_116 : memref<10240x128xf32, #tpu.memory_space<vmem_shared>>) offsets(%arg7 : memref<128xi32, #tpu.memory_space<vmem>>) semaphore(%run_scoped3A : memref<!tpu.dma_semaphore, #tpu.memory_space<semaphore_mem>>) {add = true}
        %dma_wait3A_117 = arith.constant 0 : i32
        %dma_wait3A_118 = arith.constant 0 : i32
        %dma_wait3A_119 = tpu.memref_slice %arg11[%dma_wait3A_117, %dma_wait3A_118] : memref<10240x128xf32, #tpu.memory_space<vmem_shared>> -> memref<10240x128xf32, #tpu.memory_space<vmem_shared>>
        tpu.wait_indirect_dma semaphore(%run_scoped3A : memref<!tpu.dma_semaphore, #tpu.memory_space<semaphore_mem>>) src(%arg9 : memref<128x128xf32, #tpu.memory_space<vmem>>) dst(%dma_wait3A_119 : memref<10240x128xf32, #tpu.memory_space<vmem_shared>>)
        tpu.yield
      }) : () -> ()
      %add3A_94 = arith.constant 2 : i32
      %add3A_95 = arith.addi %mul3A_65, %add3A_94 : i32
      %lt3A = arith.constant 80 : i32
      %lt3A_96 = arith.cmpi slt, %add3A_95, %lt3A : i32
      %convert_element_type3A = arith.extui %lt3A_96 : i1 to i32
      %cond3A = arith.constant 0 : i32
      %cond3A_97 = arith.cmpi ne, %convert_element_type3A, %cond3A : i32
      scf.if %cond3A_97 {
        %add3A_114 = arith.constant 2 : i32
        %add3A_115 = arith.addi %mul3A_65, %add3A_114 : i32
        %dma_start3A_116 = arith.constant 0 : i32
        %dma_start3A_117 = tpu.memref_slice %arg6[%add3A_115, %dma_start3A_116] : memref<80x128xi32, #tpu.memory_space<vmem>> -> memref<1x128xi32, #tpu.memory_space<vmem>>
        %dma_start3A_118 = tpu.memref_squeeze %dma_start3A_117 : memref<1x128xi32, #tpu.memory_space<vmem>> -> memref<128xi32, #tpu.memory_space<vmem>>
        %dma_start3A_119 = arith.constant 0 : i32
        %dma_start3A_120 = arith.constant 0 : i32
        %dma_start3A_121 = tpu.memref_slice %arg2[%dma_start3A_119, %dma_start3A_120] : memref<10000x128xf32, #tpu.memory_space<hbm>> -> memref<10000x128xf32, #tpu.memory_space<hbm>>
        tpu.enqueue_indirect_dma source(%dma_start3A_121 : memref<10000x128xf32, #tpu.memory_space<hbm>>) target(%arg9 : memref<128x128xf32, #tpu.memory_space<vmem>>) offsets(%dma_start3A_118 : memref<128xi32, #tpu.memory_space<vmem>>) semaphore(%arg12 : memref<!tpu.dma_semaphore, #tpu.memory_space<semaphore_mem>>)
        %add3A_122 = arith.constant 2 : i32
        %add3A_123 = arith.addi %mul3A_65, %add3A_122 : i32
        %dma_start3A_124 = arith.constant 0 : i32
        %dma_start3A_125 = tpu.memref_slice %arg4[%arg0, %arg1, %add3A_123, %dma_start3A_124] : memref<2x16x80x128xi32, #tpu.memory_space<hbm>> -> memref<1x1x1x128xi32, #tpu.memory_space<hbm>>
        %dma_start3A_126 = tpu.memref_squeeze %dma_start3A_125 : memref<1x1x1x128xi32, #tpu.memory_space<hbm>> -> memref<128xi32, #tpu.memory_space<hbm>>
        %dma_start3A_127 = arith.constant 0 : i32
        %dma_start3A_128 = tpu.memref_slice %arg4[%arg0, %arg1, %add3A_123, %dma_start3A_127] : memref<2x16x80x128xi32, #tpu.memory_space<hbm>> -> memref<1x1x1x128xi32, #tpu.memory_space<hbm>>
        %dma_start3A_129 = tpu.memref_squeeze %dma_start3A_128 : memref<1x1x1x128xi32, #tpu.memory_space<hbm>> -> memref<128xi32, #tpu.memory_space<hbm>>
        tpu.enqueue_dma source(%dma_start3A_129 : memref<128xi32, #tpu.memory_space<hbm>>) target(%arg7 : memref<128xi32, #tpu.memory_space<vmem>>) target_semaphore(%arg14 : memref<!tpu.dma_semaphore, #tpu.memory_space<semaphore_mem>>)
      } else {
      }
      %add3A_98 = arith.constant 1 : i32
      %add3A_99 = arith.addi %mul3A_65, %add3A_98 : i32
      %dma_wait3A_100 = arith.constant 0 : i32
      %dma_wait3A_101 = tpu.memref_slice %arg6[%add3A_99, %dma_wait3A_100] : memref<80x128xi32, #tpu.memory_space<vmem>> -> memref<1x128xi32, #tpu.memory_space<vmem>>
      %dma_wait3A_102 = tpu.memref_squeeze %dma_wait3A_101 : memref<1x128xi32, #tpu.memory_space<vmem>> -> memref<128xi32, #tpu.memory_space<vmem>>
      %dma_wait3A_103 = arith.constant 0 : i32
      %dma_wait3A_104 = arith.constant 0 : i32
      %dma_wait3A_105 = tpu.memref_slice %arg2[%dma_wait3A_103, %dma_wait3A_104] : memref<10000x128xf32, #tpu.memory_space<hbm>> -> memref<10000x128xf32, #tpu.memory_space<hbm>>
      tpu.wait_indirect_dma semaphore(%arg13 : memref<!tpu.dma_semaphore, #tpu.memory_space<semaphore_mem>>) src(%dma_wait3A_105 : memref<10000x128xf32, #tpu.memory_space<hbm>>) dst(%arg10 : memref<128x128xf32, #tpu.memory_space<vmem>>)
      %add3A_106 = arith.constant 1 : i32
      %add3A_107 = arith.addi %mul3A_65, %add3A_106 : i32
      %dma_wait3A_108 = arith.constant 0 : i32
      %dma_wait3A_109 = tpu.memref_slice %arg4[%arg0, %arg1, %add3A_107, %dma_wait3A_108] : memref<2x16x80x128xi32, #tpu.memory_space<hbm>> -> memref<1x1x1x128xi32, #tpu.memory_space<hbm>>
      %dma_wait3A_110 = tpu.memref_squeeze %dma_wait3A_109 : memref<1x1x1x128xi32, #tpu.memory_space<hbm>> -> memref<128xi32, #tpu.memory_space<hbm>>
      %dma_wait3A_111 = arith.constant 0 : i32
      %dma_wait3A_112 = tpu.memref_slice %arg4[%arg0, %arg1, %add3A_107, %dma_wait3A_111] : memref<2x16x80x128xi32, #tpu.memory_space<hbm>> -> memref<1x1x1x128xi32, #tpu.memory_space<hbm>>
      %dma_wait3A_113 = tpu.memref_squeeze %dma_wait3A_112 : memref<1x1x1x128xi32, #tpu.memory_space<hbm>> -> memref<128xi32, #tpu.memory_space<hbm>>
      tpu.wait_dma2 semaphore(%arg15 : memref<!tpu.dma_semaphore, #tpu.memory_space<semaphore_mem>>) src(%dma_wait3A_113 : memref<128xi32, #tpu.memory_space<hbm>>) dst(%arg8 : memref<128xi32, #tpu.memory_space<vmem>>)
      "tpu.region"() ({
        %run_scoped3A = tpu.sem_alloc : memref<!tpu.dma_semaphore, #tpu.memory_space<semaphore_mem>>
        %dma_start3A_114 = arith.constant 0 : i32
        %dma_start3A_115 = arith.constant 0 : i32
        %dma_start3A_116 = tpu.memref_slice %arg11[%dma_start3A_114, %dma_start3A_115] : memref<10240x128xf32, #tpu.memory_space<vmem_shared>> -> memref<10240x128xf32, #tpu.memory_space<vmem_shared>>
        tpu.enqueue_indirect_dma source(%arg10 : memref<128x128xf32, #tpu.memory_space<vmem>>) target(%dma_start3A_116 : memref<10240x128xf32, #tpu.memory_space<vmem_shared>>) offsets(%arg8 : memref<128xi32, #tpu.memory_space<vmem>>) semaphore(%run_scoped3A : memref<!tpu.dma_semaphore, #tpu.memory_space<semaphore_mem>>) {add = true}
        %dma_wait3A_117 = arith.constant 0 : i32
        %dma_wait3A_118 = arith.constant 0 : i32
        %dma_wait3A_119 = tpu.memref_slice %arg11[%dma_wait3A_117, %dma_wait3A_118] : memref<10240x128xf32, #tpu.memory_space<vmem_shared>> -> memref<10240x128xf32, #tpu.memory_space<vmem_shared>>
        tpu.wait_indirect_dma semaphore(%run_scoped3A : memref<!tpu.dma_semaphore, #tpu.memory_space<semaphore_mem>>) src(%arg10 : memref<128x128xf32, #tpu.memory_space<vmem>>) dst(%dma_wait3A_119 : memref<10240x128xf32, #tpu.memory_space<vmem_shared>>)
        tpu.yield
      }) : () -> ()
    }
    %scan3A_57 = arith.constant 40 : i32
    %barrier3A_58 = arith.constant 0 : index
    tpu.barrier barrier_id(%barrier3A_58)
    %mul3A_59 = arith.constant 640 : i32
    %mul3A_60 = arith.muli %arg1, %mul3A_59 : i32
    %mul3A_61 = arith.constant 640 : i32
    %mul3A_62 = arith.muli %arg1, %mul3A_61 : i32
    "tpu.region"() ({
      %run_scoped3A = tpu.sem_alloc : memref<!tpu.dma_semaphore, #tpu.memory_space<semaphore_mem>>
      %dma_start3A_63 = arith.constant 0 : i32
      %dma_start3A_64 = tpu.memref_slice %arg5[%arg0, %mul3A_62, %dma_start3A_63] : memref<2x10240x128xf32, #tpu.memory_space<hbm>> -> memref<1x640x128xf32, #tpu.memory_space<hbm>>
      %dma_start3A_65 = tpu.memref_squeeze %dma_start3A_64 : memref<1x640x128xf32, #tpu.memory_space<hbm>> -> memref<640x128xf32, #tpu.memory_space<hbm>>
      %dma_start3A_66 = arith.constant 0 : i32
      %dma_start3A_67 = tpu.memref_slice %arg11[%mul3A_60, %dma_start3A_66] : memref<10240x128xf32, #tpu.memory_space<vmem_shared>> -> memref<640x128xf32, #tpu.memory_space<vmem_shared>>
      tpu.enqueue_dma source(%dma_start3A_67 : memref<640x128xf32, #tpu.memory_space<vmem_shared>>) target(%dma_start3A_65 : memref<640x128xf32, #tpu.memory_space<hbm>>) target_semaphore(%run_scoped3A : memref<!tpu.dma_semaphore, #tpu.memory_space<semaphore_mem>>)
      %dma_wait3A_68 = arith.constant 0 : i32
      %dma_wait3A_69 = tpu.memref_slice %arg5[%arg0, %mul3A_62, %dma_wait3A_68] : memref<2x10240x128xf32, #tpu.memory_space<hbm>> -> memref<1x640x128xf32, #tpu.memory_space<hbm>>
      %dma_wait3A_70 = tpu.memref_squeeze %dma_wait3A_69 : memref<1x640x128xf32, #tpu.memory_space<hbm>> -> memref<640x128xf32, #tpu.memory_space<hbm>>
      %dma_wait3A_71 = arith.constant 0 : i32
      %dma_wait3A_72 = tpu.memref_slice %arg11[%mul3A_60, %dma_wait3A_71] : memref<10240x128xf32, #tpu.memory_space<vmem_shared>> -> memref<640x128xf32, #tpu.memory_space<vmem_shared>>
      tpu.wait_dma2 semaphore(%run_scoped3A : memref<!tpu.dma_semaphore, #tpu.memory_space<semaphore_mem>>) src(%dma_wait3A_72 : memref<640x128xf32, #tpu.memory_space<vmem_shared>>) dst(%dma_wait3A_70 : memref<640x128xf32, #tpu.memory_space<hbm>>)
      tpu.yield
    }) : () -> ()
    return
  }
}

#map = affine_map<(d0, d1) -> (0, 0, 0, 0)>
#map1 = affine_map<(d0, d1) -> (0, 0)>
module attributes {stable_mosaic.version = 14 : i64} {
  func.func @_sc_degree(%arg0: i32, %arg1: i32, %arg2: memref<2x16x80x128xi32, #tpu.memory_space<hbm>>, %arg3: memref<2x10240xf32, #tpu.memory_space<hbm>>, %arg4: memref<80x128xi32, #tpu.memory_space<vmem>>, %arg5: memref<128xf32, #tpu.memory_space<vmem>>, %arg6: memref<128xf32, #tpu.memory_space<vmem>>, %arg7: memref<10240xf32, #tpu.memory_space<vmem_shared>>, %arg8: memref<!tpu.dma_semaphore, #tpu.memory_space<semaphore_mem>>, %arg9: memref<!tpu.dma_semaphore, #tpu.memory_space<semaphore_mem>>) attributes {dimension_semantics = [#tpu.dimension_semantics<core_parallel>, #tpu.dimension_semantics<subcore_parallel>], iteration_bounds = array<i64: 2, 16>, scalar_prefetch = 0 : i64, scratch_operands = 6 : i64, tpu.core_type = #tpu.core_type<sc_vector_subcore>, window_params = [{transform_indices = #map}, {transform_indices = #map1}]} {
    %dma_start3A = arith.constant 0 : i32
    %dma_start3A_0 = arith.constant 0 : i32
    %dma_start3A_1 = tpu.memref_slice %arg2[%arg0, %arg1, %dma_start3A, %dma_start3A_0] : memref<2x16x80x128xi32, #tpu.memory_space<hbm>> -> memref<1x1x80x128xi32, #tpu.memory_space<hbm>>
    %dma_start3A_2 = tpu.memref_squeeze %dma_start3A_1 : memref<1x1x80x128xi32, #tpu.memory_space<hbm>> -> memref<80x128xi32, #tpu.memory_space<hbm>>
    %dma_start3A_3 = arith.constant 0 : i32
    %dma_start3A_4 = arith.constant 0 : i32
    %dma_start3A_5 = tpu.memref_slice %arg2[%arg0, %arg1, %dma_start3A_3, %dma_start3A_4] : memref<2x16x80x128xi32, #tpu.memory_space<hbm>> -> memref<1x1x80x128xi32, #tpu.memory_space<hbm>>
    %dma_start3A_6 = tpu.memref_squeeze %dma_start3A_5 : memref<1x1x80x128xi32, #tpu.memory_space<hbm>> -> memref<80x128xi32, #tpu.memory_space<hbm>>
    tpu.enqueue_dma source(%dma_start3A_6 : memref<80x128xi32, #tpu.memory_space<hbm>>) target(%arg4 : memref<80x128xi32, #tpu.memory_space<vmem>>) target_semaphore(%arg9 : memref<!tpu.dma_semaphore, #tpu.memory_space<semaphore_mem>>)
    %broadcast_in_dim3A = arith.constant 1.000000e+00 : f32
    %broadcast_in_dim3A_7 = vector.broadcast %broadcast_in_dim3A : f32 to vector<16xf32>
    %swap3A = arith.constant 0 : index
    %swap3A_8 = tpu.vector_load %arg5[%swap3A] {strides = array<i32>} : memref<128xf32, #tpu.memory_space<vmem>>, vector<16xf32>,
    %swap3A_9 = vector.shape_cast %swap3A_8 : vector<16xf32> to vector<16xf32>
    %swap3A_10 = vector.shape_cast %broadcast_in_dim3A_7 : vector<16xf32> to vector<16xf32>
    tpu.vector_store %arg5[%swap3A], %swap3A_10 {strides = array<i32>} : memref<128xf32, #tpu.memory_space<vmem>>, vector<16xf32>,
    %swap3A_11 = arith.constant 16 : index
    %swap3A_12 = tpu.vector_load %arg5[%swap3A_11] {strides = array<i32>} : memref<128xf32, #tpu.memory_space<vmem>>, vector<16xf32>,
    %swap3A_13 = vector.shape_cast %swap3A_12 : vector<16xf32> to vector<16xf32>
    %swap3A_14 = vector.shape_cast %broadcast_in_dim3A_7 : vector<16xf32> to vector<16xf32>
    tpu.vector_store %arg5[%swap3A_11], %swap3A_14 {strides = array<i32>} : memref<128xf32, #tpu.memory_space<vmem>>, vector<16xf32>,
    %swap3A_15 = arith.constant 32 : index
    %swap3A_16 = tpu.vector_load %arg5[%swap3A_15] {strides = array<i32>} : memref<128xf32, #tpu.memory_space<vmem>>, vector<16xf32>,
    %swap3A_17 = vector.shape_cast %swap3A_16 : vector<16xf32> to vector<16xf32>
    %swap3A_18 = vector.shape_cast %broadcast_in_dim3A_7 : vector<16xf32> to vector<16xf32>
    tpu.vector_store %arg5[%swap3A_15], %swap3A_18 {strides = array<i32>} : memref<128xf32, #tpu.memory_space<vmem>>, vector<16xf32>,
    %swap3A_19 = arith.constant 48 : index
    %swap3A_20 = tpu.vector_load %arg5[%swap3A_19] {strides = array<i32>} : memref<128xf32, #tpu.memory_space<vmem>>, vector<16xf32>,
    %swap3A_21 = vector.shape_cast %swap3A_20 : vector<16xf32> to vector<16xf32>
    %swap3A_22 = vector.shape_cast %broadcast_in_dim3A_7 : vector<16xf32> to vector<16xf32>
    tpu.vector_store %arg5[%swap3A_19], %swap3A_22 {strides = array<i32>} : memref<128xf32, #tpu.memory_space<vmem>>, vector<16xf32>,
    %swap3A_23 = arith.constant 64 : index
    %swap3A_24 = tpu.vector_load %arg5[%swap3A_23] {strides = array<i32>} : memref<128xf32, #tpu.memory_space<vmem>>, vector<16xf32>,
    %swap3A_25 = vector.shape_cast %swap3A_24 : vector<16xf32> to vector<16xf32>
    %swap3A_26 = vector.shape_cast %broadcast_in_dim3A_7 : vector<16xf32> to vector<16xf32>
    tpu.vector_store %arg5[%swap3A_23], %swap3A_26 {strides = array<i32>} : memref<128xf32, #tpu.memory_space<vmem>>, vector<16xf32>,
    %swap3A_27 = arith.constant 80 : index
    %swap3A_28 = tpu.vector_load %arg5[%swap3A_27] {strides = array<i32>} : memref<128xf32, #tpu.memory_space<vmem>>, vector<16xf32>,
    %swap3A_29 = vector.shape_cast %swap3A_28 : vector<16xf32> to vector<16xf32>
    %swap3A_30 = vector.shape_cast %broadcast_in_dim3A_7 : vector<16xf32> to vector<16xf32>
    tpu.vector_store %arg5[%swap3A_27], %swap3A_30 {strides = array<i32>} : memref<128xf32, #tpu.memory_space<vmem>>, vector<16xf32>,
    %swap3A_31 = arith.constant 96 : index
    %swap3A_32 = tpu.vector_load %arg5[%swap3A_31] {strides = array<i32>} : memref<128xf32, #tpu.memory_space<vmem>>, vector<16xf32>,
    %swap3A_33 = vector.shape_cast %swap3A_32 : vector<16xf32> to vector<16xf32>
    %swap3A_34 = vector.shape_cast %broadcast_in_dim3A_7 : vector<16xf32> to vector<16xf32>
    tpu.vector_store %arg5[%swap3A_31], %swap3A_34 {strides = array<i32>} : memref<128xf32, #tpu.memory_space<vmem>>, vector<16xf32>,
    %swap3A_35 = arith.constant 112 : index
    %swap3A_36 = tpu.vector_load %arg5[%swap3A_35] {strides = array<i32>} : memref<128xf32, #tpu.memory_space<vmem>>, vector<16xf32>,
    %swap3A_37 = vector.shape_cast %swap3A_36 : vector<16xf32> to vector<16xf32>
    %swap3A_38 = vector.shape_cast %broadcast_in_dim3A_7 : vector<16xf32> to vector<16xf32>
    tpu.vector_store %arg5[%swap3A_35], %swap3A_38 {strides = array<i32>} : memref<128xf32, #tpu.memory_space<vmem>>, vector<16xf32>,
    %broadcast_in_dim3A_39 = arith.constant 0.000000e+00 : f32
    %broadcast_in_dim3A_40 = vector.broadcast %broadcast_in_dim3A_39 : f32 to vector<16xf32>
    %swap3A_41 = arith.constant 0 : index
    %swap3A_42 = tpu.vector_load %arg6[%swap3A_41] {strides = array<i32>} : memref<128xf32, #tpu.memory_space<vmem>>, vector<16xf32>,
    %swap3A_43 = vector.shape_cast %swap3A_42 : vector<16xf32> to vector<16xf32>
    %swap3A_44 = vector.shape_cast %broadcast_in_dim3A_40 : vector<16xf32> to vector<16xf32>
    tpu.vector_store %arg6[%swap3A_41], %swap3A_44 {strides = array<i32>} : memref<128xf32, #tpu.memory_space<vmem>>, vector<16xf32>,
    %swap3A_45 = arith.constant 16 : index
    %swap3A_46 = tpu.vector_load %arg6[%swap3A_45] {strides = array<i32>} : memref<128xf32, #tpu.memory_space<vmem>>, vector<16xf32>,
    %swap3A_47 = vector.shape_cast %swap3A_46 : vector<16xf32> to vector<16xf32>
    %swap3A_48 = vector.shape_cast %broadcast_in_dim3A_40 : vector<16xf32> to vector<16xf32>
    tpu.vector_store %arg6[%swap3A_45], %swap3A_48 {strides = array<i32>} : memref<128xf32, #tpu.memory_space<vmem>>, vector<16xf32>,
    %swap3A_49 = arith.constant 32 : index
    %swap3A_50 = tpu.vector_load %arg6[%swap3A_49] {strides = array<i32>} : memref<128xf32, #tpu.memory_space<vmem>>, vector<16xf32>,
    %swap3A_51 = vector.shape_cast %swap3A_50 : vector<16xf32> to vector<16xf32>
    %swap3A_52 = vector.shape_cast %broadcast_in_dim3A_40 : vector<16xf32> to vector<16xf32>
    tpu.vector_store %arg6[%swap3A_49], %swap3A_52 {strides = array<i32>} : memref<128xf32, #tpu.memory_space<vmem>>, vector<16xf32>,
    %swap3A_53 = arith.constant 48 : index
    %swap3A_54 = tpu.vector_load %arg6[%swap3A_53] {strides = array<i32>} : memref<128xf32, #tpu.memory_space<vmem>>, vector<16xf32>,
    %swap3A_55 = vector.shape_cast %swap3A_54 : vector<16xf32> to vector<16xf32>
    %swap3A_56 = vector.shape_cast %broadcast_in_dim3A_40 : vector<16xf32> to vector<16xf32>
    tpu.vector_store %arg6[%swap3A_53], %swap3A_56 {strides = array<i32>} : memref<128xf32, #tpu.memory_space<vmem>>, vector<16xf32>,
    %swap3A_57 = arith.constant 64 : index
    %swap3A_58 = tpu.vector_load %arg6[%swap3A_57] {strides = array<i32>} : memref<128xf32, #tpu.memory_space<vmem>>, vector<16xf32>,
    %swap3A_59 = vector.shape_cast %swap3A_58 : vector<16xf32> to vector<16xf32>
    %swap3A_60 = vector.shape_cast %broadcast_in_dim3A_40 : vector<16xf32> to vector<16xf32>
    tpu.vector_store %arg6[%swap3A_57], %swap3A_60 {strides = array<i32>} : memref<128xf32, #tpu.memory_space<vmem>>, vector<16xf32>,
    %swap3A_61 = arith.constant 80 : index
    %swap3A_62 = tpu.vector_load %arg6[%swap3A_61] {strides = array<i32>} : memref<128xf32, #tpu.memory_space<vmem>>, vector<16xf32>,
    %swap3A_63 = vector.shape_cast %swap3A_62 : vector<16xf32> to vector<16xf32>
    %swap3A_64 = vector.shape_cast %broadcast_in_dim3A_40 : vector<16xf32> to vector<16xf32>
    tpu.vector_store %arg6[%swap3A_61], %swap3A_64 {strides = array<i32>} : memref<128xf32, #tpu.memory_space<vmem>>, vector<16xf32>,
    %swap3A_65 = arith.constant 96 : index
    %swap3A_66 = tpu.vector_load %arg6[%swap3A_65] {strides = array<i32>} : memref<128xf32, #tpu.memory_space<vmem>>, vector<16xf32>,
    %swap3A_67 = vector.shape_cast %swap3A_66 : vector<16xf32> to vector<16xf32>
    %swap3A_68 = vector.shape_cast %broadcast_in_dim3A_40 : vector<16xf32> to vector<16xf32>
    tpu.vector_store %arg6[%swap3A_65], %swap3A_68 {strides = array<i32>} : memref<128xf32, #tpu.memory_space<vmem>>, vector<16xf32>,
    %swap3A_69 = arith.constant 112 : index
    %swap3A_70 = tpu.vector_load %arg6[%swap3A_69] {strides = array<i32>} : memref<128xf32, #tpu.memory_space<vmem>>, vector<16xf32>,
    %swap3A_71 = vector.shape_cast %swap3A_70 : vector<16xf32> to vector<16xf32>
    %swap3A_72 = vector.shape_cast %broadcast_in_dim3A_40 : vector<16xf32> to vector<16xf32>
    tpu.vector_store %arg6[%swap3A_69], %swap3A_72 {strides = array<i32>} : memref<128xf32, #tpu.memory_space<vmem>>, vector<16xf32>,
    %mul3A = arith.constant 640 : i32
    %mul3A_73 = arith.muli %arg1, %mul3A : i32
    %add3A = arith.constant 0 : i32
    %add3A_74 = arith.addi %mul3A_73, %add3A : i32
    "tpu.region"() ({
      %run_scoped3A = tpu.sem_alloc : memref<!tpu.dma_semaphore, #tpu.memory_space<semaphore_mem>>
      %dma_start3A_114 = tpu.memref_slice %arg7[%add3A_74] : memref<10240xf32, #tpu.memory_space<vmem_shared>> -> memref<128xf32, #tpu.memory_space<vmem_shared>>
      %dma_start3A_115 = tpu.memref_slice %arg7[%add3A_74] : memref<10240xf32, #tpu.memory_space<vmem_shared>> -> memref<128xf32, #tpu.memory_space<vmem_shared>>
      tpu.enqueue_dma source(%arg6 : memref<128xf32, #tpu.memory_space<vmem>>) target(%dma_start3A_115 : memref<128xf32, #tpu.memory_space<vmem_shared>>) target_semaphore(%run_scoped3A : memref<!tpu.dma_semaphore, #tpu.memory_space<semaphore_mem>>)
      %dma_wait3A_116 = tpu.memref_slice %arg7[%add3A_74] : memref<10240xf32, #tpu.memory_space<vmem_shared>> -> memref<128xf32, #tpu.memory_space<vmem_shared>>
      %dma_wait3A_117 = tpu.memref_slice %arg7[%add3A_74] : memref<10240xf32, #tpu.memory_space<vmem_shared>> -> memref<128xf32, #tpu.memory_space<vmem_shared>>
      tpu.wait_dma2 semaphore(%run_scoped3A : memref<!tpu.dma_semaphore, #tpu.memory_space<semaphore_mem>>) src(%arg6 : memref<128xf32, #tpu.memory_space<vmem>>) dst(%dma_wait3A_117 : memref<128xf32, #tpu.memory_space<vmem_shared>>)
      tpu.yield
    }) : () -> ()
    %mul3A_75 = arith.constant 640 : i32
    %mul3A_76 = arith.muli %arg1, %mul3A_75 : i32
    %add3A_77 = arith.constant 128 : i32
    %add3A_78 = arith.addi %mul3A_76, %add3A_77 : i32
    "tpu.region"() ({
      %run_scoped3A = tpu.sem_alloc : memref<!tpu.dma_semaphore, #tpu.memory_space<semaphore_mem>>
      %dma_start3A_114 = tpu.memref_slice %arg7[%add3A_78] : memref<10240xf32, #tpu.memory_space<vmem_shared>> -> memref<128xf32, #tpu.memory_space<vmem_shared>>
      %dma_start3A_115 = tpu.memref_slice %arg7[%add3A_78] : memref<10240xf32, #tpu.memory_space<vmem_shared>> -> memref<128xf32, #tpu.memory_space<vmem_shared>>
      tpu.enqueue_dma source(%arg6 : memref<128xf32, #tpu.memory_space<vmem>>) target(%dma_start3A_115 : memref<128xf32, #tpu.memory_space<vmem_shared>>) target_semaphore(%run_scoped3A : memref<!tpu.dma_semaphore, #tpu.memory_space<semaphore_mem>>)
      %dma_wait3A_116 = tpu.memref_slice %arg7[%add3A_78] : memref<10240xf32, #tpu.memory_space<vmem_shared>> -> memref<128xf32, #tpu.memory_space<vmem_shared>>
      %dma_wait3A_117 = tpu.memref_slice %arg7[%add3A_78] : memref<10240xf32, #tpu.memory_space<vmem_shared>> -> memref<128xf32, #tpu.memory_space<vmem_shared>>
      tpu.wait_dma2 semaphore(%run_scoped3A : memref<!tpu.dma_semaphore, #tpu.memory_space<semaphore_mem>>) src(%arg6 : memref<128xf32, #tpu.memory_space<vmem>>) dst(%dma_wait3A_117 : memref<128xf32, #tpu.memory_space<vmem_shared>>)
      tpu.yield
    }) : () -> ()
    %mul3A_79 = arith.constant 640 : i32
    %mul3A_80 = arith.muli %arg1, %mul3A_79 : i32
    %add3A_81 = arith.constant 256 : i32
    %add3A_82 = arith.addi %mul3A_80, %add3A_81 : i32
    "tpu.region"() ({
      %run_scoped3A = tpu.sem_alloc : memref<!tpu.dma_semaphore, #tpu.memory_space<semaphore_mem>>
      %dma_start3A_114 = tpu.memref_slice %arg7[%add3A_82] : memref<10240xf32, #tpu.memory_space<vmem_shared>> -> memref<128xf32, #tpu.memory_space<vmem_shared>>
      %dma_start3A_115 = tpu.memref_slice %arg7[%add3A_82] : memref<10240xf32, #tpu.memory_space<vmem_shared>> -> memref<128xf32, #tpu.memory_space<vmem_shared>>
      tpu.enqueue_dma source(%arg6 : memref<128xf32, #tpu.memory_space<vmem>>) target(%dma_start3A_115 : memref<128xf32, #tpu.memory_space<vmem_shared>>) target_semaphore(%run_scoped3A : memref<!tpu.dma_semaphore, #tpu.memory_space<semaphore_mem>>)
      %dma_wait3A_116 = tpu.memref_slice %arg7[%add3A_82] : memref<10240xf32, #tpu.memory_space<vmem_shared>> -> memref<128xf32, #tpu.memory_space<vmem_shared>>
      %dma_wait3A_117 = tpu.memref_slice %arg7[%add3A_82] : memref<10240xf32, #tpu.memory_space<vmem_shared>> -> memref<128xf32, #tpu.memory_space<vmem_shared>>
      tpu.wait_dma2 semaphore(%run_scoped3A : memref<!tpu.dma_semaphore, #tpu.memory_space<semaphore_mem>>) src(%arg6 : memref<128xf32, #tpu.memory_space<vmem>>) dst(%dma_wait3A_117 : memref<128xf32, #tpu.memory_space<vmem_shared>>)
      tpu.yield
    }) : () -> ()
    %mul3A_83 = arith.constant 640 : i32
    %mul3A_84 = arith.muli %arg1, %mul3A_83 : i32
    %add3A_85 = arith.constant 384 : i32
    %add3A_86 = arith.addi %mul3A_84, %add3A_85 : i32
    "tpu.region"() ({
      %run_scoped3A = tpu.sem_alloc : memref<!tpu.dma_semaphore, #tpu.memory_space<semaphore_mem>>
      %dma_start3A_114 = tpu.memref_slice %arg7[%add3A_86] : memref<10240xf32, #tpu.memory_space<vmem_shared>> -> memref<128xf32, #tpu.memory_space<vmem_shared>>
      %dma_start3A_115 = tpu.memref_slice %arg7[%add3A_86] : memref<10240xf32, #tpu.memory_space<vmem_shared>> -> memref<128xf32, #tpu.memory_space<vmem_shared>>
      tpu.enqueue_dma source(%arg6 : memref<128xf32, #tpu.memory_space<vmem>>) target(%dma_start3A_115 : memref<128xf32, #tpu.memory_space<vmem_shared>>) target_semaphore(%run_scoped3A : memref<!tpu.dma_semaphore, #tpu.memory_space<semaphore_mem>>)
      %dma_wait3A_116 = tpu.memref_slice %arg7[%add3A_86] : memref<10240xf32, #tpu.memory_space<vmem_shared>> -> memref<128xf32, #tpu.memory_space<vmem_shared>>
      %dma_wait3A_117 = tpu.memref_slice %arg7[%add3A_86] : memref<10240xf32, #tpu.memory_space<vmem_shared>> -> memref<128xf32, #tpu.memory_space<vmem_shared>>
      tpu.wait_dma2 semaphore(%run_scoped3A : memref<!tpu.dma_semaphore, #tpu.memory_space<semaphore_mem>>) src(%arg6 : memref<128xf32, #tpu.memory_space<vmem>>) dst(%dma_wait3A_117 : memref<128xf32, #tpu.memory_space<vmem_shared>>)
      tpu.yield
    }) : () -> ()
    %mul3A_87 = arith.constant 640 : i32
    %mul3A_88 = arith.muli %arg1, %mul3A_87 : i32
    %add3A_89 = arith.constant 512 : i32
    %add3A_90 = arith.addi %mul3A_88, %add3A_89 : i32
    "tpu.region"() ({
      %run_scoped3A = tpu.sem_alloc : memref<!tpu.dma_semaphore, #tpu.memory_space<semaphore_mem>>
      %dma_start3A_114 = tpu.memref_slice %arg7[%add3A_90] : memref<10240xf32, #tpu.memory_space<vmem_shared>> -> memref<128xf32, #tpu.memory_space<vmem_shared>>
      %dma_start3A_115 = tpu.memref_slice %arg7[%add3A_90] : memref<10240xf32, #tpu.memory_space<vmem_shared>> -> memref<128xf32, #tpu.memory_space<vmem_shared>>
      tpu.enqueue_dma source(%arg6 : memref<128xf32, #tpu.memory_space<vmem>>) target(%dma_start3A_115 : memref<128xf32, #tpu.memory_space<vmem_shared>>) target_semaphore(%run_scoped3A : memref<!tpu.dma_semaphore, #tpu.memory_space<semaphore_mem>>)
      %dma_wait3A_116 = tpu.memref_slice %arg7[%add3A_90] : memref<10240xf32, #tpu.memory_space<vmem_shared>> -> memref<128xf32, #tpu.memory_space<vmem_shared>>
      %dma_wait3A_117 = tpu.memref_slice %arg7[%add3A_90] : memref<10240xf32, #tpu.memory_space<vmem_shared>> -> memref<128xf32, #tpu.memory_space<vmem_shared>>
      tpu.wait_dma2 semaphore(%run_scoped3A : memref<!tpu.dma_semaphore, #tpu.memory_space<semaphore_mem>>) src(%arg6 : memref<128xf32, #tpu.memory_space<vmem>>) dst(%dma_wait3A_117 : memref<128xf32, #tpu.memory_space<vmem_shared>>)
      tpu.yield
    }) : () -> ()
    %dma_wait3A = arith.constant 0 : i32
    %dma_wait3A_91 = arith.constant 0 : i32
    %dma_wait3A_92 = tpu.memref_slice %arg2[%arg0, %arg1, %dma_wait3A, %dma_wait3A_91] : memref<2x16x80x128xi32, #tpu.memory_space<hbm>> -> memref<1x1x80x128xi32, #tpu.memory_space<hbm>>
    %dma_wait3A_93 = tpu.memref_squeeze %dma_wait3A_92 : memref<1x1x80x128xi32, #tpu.memory_space<hbm>> -> memref<80x128xi32, #tpu.memory_space<hbm>>
    %dma_wait3A_94 = arith.constant 0 : i32
    %dma_wait3A_95 = arith.constant 0 : i32
    %dma_wait3A_96 = tpu.memref_slice %arg2[%arg0, %arg1, %dma_wait3A_94, %dma_wait3A_95] : memref<2x16x80x128xi32, #tpu.memory_space<hbm>> -> memref<1x1x80x128xi32, #tpu.memory_space<hbm>>
    %dma_wait3A_97 = tpu.memref_squeeze %dma_wait3A_96 : memref<1x1x80x128xi32, #tpu.memory_space<hbm>> -> memref<80x128xi32, #tpu.memory_space<hbm>>
    tpu.wait_dma2 semaphore(%arg9 : memref<!tpu.dma_semaphore, #tpu.memory_space<semaphore_mem>>) src(%dma_wait3A_97 : memref<80x128xi32, #tpu.memory_space<hbm>>) dst(%arg4 : memref<80x128xi32, #tpu.memory_space<vmem>>)
    %barrier3A = arith.constant 0 : index
    tpu.barrier barrier_id(%barrier3A)
    %dma_start3A_98 = arith.constant 0 : i32
    %dma_start3A_99 = arith.constant 0 : i32
    %dma_start3A_100 = tpu.memref_slice %arg4[%dma_start3A_98, %dma_start3A_99] : memref<80x128xi32, #tpu.memory_space<vmem>> -> memref<1x128xi32, #tpu.memory_space<vmem>>
    %dma_start3A_101 = tpu.memref_squeeze %dma_start3A_100 : memref<1x128xi32, #tpu.memory_space<vmem>> -> memref<128xi32, #tpu.memory_space<vmem>>
    %dma_start3A_102 = arith.constant 0 : i32
    %dma_start3A_103 = tpu.memref_slice %arg7[%dma_start3A_102] : memref<10240xf32, #tpu.memory_space<vmem_shared>> -> memref<10240xf32, #tpu.memory_space<vmem_shared>>
    tpu.enqueue_indirect_dma source(%arg5 : memref<128xf32, #tpu.memory_space<vmem>>) target(%dma_start3A_103 : memref<10240xf32, #tpu.memory_space<vmem_shared>>) offsets(%dma_start3A_101 : memref<128xi32, #tpu.memory_space<vmem>>) semaphore(%arg8 : memref<!tpu.dma_semaphore, #tpu.memory_space<semaphore_mem>>) {add = true}
    %scan3A = arith.constant 0 : i32
    %scan3A_104 = arith.constant 0 : i32
    %scan3A_105 = arith.constant 40 : i32
    %scan3A_106 = arith.addi %scan3A_104, %scan3A_105 : i32
    %scan3A_107 = arith.constant 1 : i32
    scf.for %scan3A_114 = %scan3A_104 to %scan3A_106 step %scan3A_107  : i32 {
      %mul3A_115 = arith.constant 2 : i32
      %mul3A_116 = arith.muli %mul3A_115, %scan3A_114 : i32
      %add3A_117 = arith.constant 1 : i32
      %add3A_118 = arith.addi %mul3A_116, %add3A_117 : i32
      %dma_start3A_119 = arith.constant 0 : i32
      %dma_start3A_120 = tpu.memref_slice %arg4[%add3A_118, %dma_start3A_119] : memref<80x128xi32, #tpu.memory_space<vmem>> -> memref<1x128xi32, #tpu.memory_space<vmem>>
      %dma_start3A_121 = tpu.memref_squeeze %dma_start3A_120 : memref<1x128xi32, #tpu.memory_space<vmem>> -> memref<128xi32, #tpu.memory_space<vmem>>
      %dma_start3A_122 = arith.constant 0 : i32
      %dma_start3A_123 = tpu.memref_slice %arg7[%dma_start3A_122] : memref<10240xf32, #tpu.memory_space<vmem_shared>> -> memref<10240xf32, #tpu.memory_space<vmem_shared>>
      tpu.enqueue_indirect_dma source(%arg5 : memref<128xf32, #tpu.memory_space<vmem>>) target(%dma_start3A_123 : memref<10240xf32, #tpu.memory_space<vmem_shared>>) offsets(%dma_start3A_121 : memref<128xi32, #tpu.memory_space<vmem>>) semaphore(%arg9 : memref<!tpu.dma_semaphore, #tpu.memory_space<semaphore_mem>>) {add = true}
      %dma_wait3A_124 = arith.constant 0 : i32
      %dma_wait3A_125 = tpu.memref_slice %arg4[%mul3A_116, %dma_wait3A_124] : memref<80x128xi32, #tpu.memory_space<vmem>> -> memref<1x128xi32, #tpu.memory_space<vmem>>
      %dma_wait3A_126 = tpu.memref_squeeze %dma_wait3A_125 : memref<1x128xi32, #tpu.memory_space<vmem>> -> memref<128xi32, #tpu.memory_space<vmem>>
      %dma_wait3A_127 = arith.constant 0 : i32
      %dma_wait3A_128 = tpu.memref_slice %arg7[%dma_wait3A_127] : memref<10240xf32, #tpu.memory_space<vmem_shared>> -> memref<10240xf32, #tpu.memory_space<vmem_shared>>
      tpu.wait_indirect_dma semaphore(%arg8 : memref<!tpu.dma_semaphore, #tpu.memory_space<semaphore_mem>>) src(%arg5 : memref<128xf32, #tpu.memory_space<vmem>>) dst(%dma_wait3A_128 : memref<10240xf32, #tpu.memory_space<vmem_shared>>)
      %add3A_129 = arith.constant 2 : i32
      %add3A_130 = arith.addi %mul3A_116, %add3A_129 : i32
      %lt3A = arith.constant 80 : i32
      %lt3A_131 = arith.cmpi slt, %add3A_130, %lt3A : i32
      %convert_element_type3A = arith.extui %lt3A_131 : i1 to i32
      %cond3A = arith.constant 0 : i32
      %cond3A_132 = arith.cmpi ne, %convert_element_type3A, %cond3A : i32
      scf.if %cond3A_132 {
        %add3A_140 = arith.constant 2 : i32
        %add3A_141 = arith.addi %mul3A_116, %add3A_140 : i32
        %dma_start3A_142 = arith.constant 0 : i32
        %dma_start3A_143 = tpu.memref_slice %arg4[%add3A_141, %dma_start3A_142] : memref<80x128xi32, #tpu.memory_space<vmem>> -> memref<1x128xi32, #tpu.memory_space<vmem>>
        %dma_start3A_144 = tpu.memref_squeeze %dma_start3A_143 : memref<1x128xi32, #tpu.memory_space<vmem>> -> memref<128xi32, #tpu.memory_space<vmem>>
        %dma_start3A_145 = arith.constant 0 : i32
        %dma_start3A_146 = tpu.memref_slice %arg7[%dma_start3A_145] : memref<10240xf32, #tpu.memory_space<vmem_shared>> -> memref<10240xf32, #tpu.memory_space<vmem_shared>>
        tpu.enqueue_indirect_dma source(%arg5 : memref<128xf32, #tpu.memory_space<vmem>>) target(%dma_start3A_146 : memref<10240xf32, #tpu.memory_space<vmem_shared>>) offsets(%dma_start3A_144 : memref<128xi32, #tpu.memory_space<vmem>>) semaphore(%arg8 : memref<!tpu.dma_semaphore, #tpu.memory_space<semaphore_mem>>) {add = true}
      } else {
      }
      %add3A_133 = arith.constant 1 : i32
      %add3A_134 = arith.addi %mul3A_116, %add3A_133 : i32
      %dma_wait3A_135 = arith.constant 0 : i32
      %dma_wait3A_136 = tpu.memref_slice %arg4[%add3A_134, %dma_wait3A_135] : memref<80x128xi32, #tpu.memory_space<vmem>> -> memref<1x128xi32, #tpu.memory_space<vmem>>
      %dma_wait3A_137 = tpu.memref_squeeze %dma_wait3A_136 : memref<1x128xi32, #tpu.memory_space<vmem>> -> memref<128xi32, #tpu.memory_space<vmem>>
      %dma_wait3A_138 = arith.constant 0 : i32
      %dma_wait3A_139 = tpu.memref_slice %arg7[%dma_wait3A_138] : memref<10240xf32, #tpu.memory_space<vmem_shared>> -> memref<10240xf32, #tpu.memory_space<vmem_shared>>
      tpu.wait_indirect_dma semaphore(%arg9 : memref<!tpu.dma_semaphore, #tpu.memory_space<semaphore_mem>>) src(%arg5 : memref<128xf32, #tpu.memory_space<vmem>>) dst(%dma_wait3A_139 : memref<10240xf32, #tpu.memory_space<vmem_shared>>)
    }
    %scan3A_108 = arith.constant 40 : i32
    %barrier3A_109 = arith.constant 0 : index
    tpu.barrier barrier_id(%barrier3A_109)
    %mul3A_110 = arith.constant 640 : i32
    %mul3A_111 = arith.muli %arg1, %mul3A_110 : i32
    %mul3A_112 = arith.constant 640 : i32
    %mul3A_113 = arith.muli %arg1, %mul3A_112 : i32
    "tpu.region"() ({
      %run_scoped3A = tpu.sem_alloc : memref<!tpu.dma_semaphore, #tpu.memory_space<semaphore_mem>>
      %dma_start3A_114 = tpu.memref_slice %arg3[%arg0, %mul3A_113] : memref<2x10240xf32, #tpu.memory_space<hbm>> -> memref<1x640xf32, #tpu.memory_space<hbm>>
      %dma_start3A_115 = tpu.memref_squeeze %dma_start3A_114 : memref<1x640xf32, #tpu.memory_space<hbm>> -> memref<640xf32, #tpu.memory_space<hbm>>
      %dma_start3A_116 = tpu.memref_slice %arg7[%mul3A_111] : memref<10240xf32, #tpu.memory_space<vmem_shared>> -> memref<640xf32, #tpu.memory_space<vmem_shared>>
      tpu.enqueue_dma source(%dma_start3A_116 : memref<640xf32, #tpu.memory_space<vmem_shared>>) target(%dma_start3A_115 : memref<640xf32, #tpu.memory_space<hbm>>) target_semaphore(%run_scoped3A : memref<!tpu.dma_semaphore, #tpu.memory_space<semaphore_mem>>)
      %dma_wait3A_117 = tpu.memref_slice %arg3[%arg0, %mul3A_113] : memref<2x10240xf32, #tpu.memory_space<hbm>> -> memref<1x640xf32, #tpu.memory_space<hbm>>
      %dma_wait3A_118 = tpu.memref_squeeze %dma_wait3A_117 : memref<1x640xf32, #tpu.memory_space<hbm>> -> memref<640xf32, #tpu.memory_space<hbm>>
      %dma_wait3A_119 = tpu.memref_slice %arg7[%mul3A_111] : memref<10240xf32, #tpu.memory_space<vmem_shared>> -> memref<640xf32, #tpu.memory_space<vmem_shared>>
      tpu.wait_dma2 semaphore(%run_scoped3A : memref<!tpu.dma_semaphore, #tpu.memory_space<semaphore_mem>>) src(%dma_wait3A_119 : memref<640xf32, #tpu.memory_space<vmem_shared>>) dst(%dma_wait3A_118 : memref<640xf32, #tpu.memory_space<hbm>>)
      tpu.yield
    }) : () -> ()
    return
  }
}

#map = affine_map<(d0, d1) -> (0, 0)>
#map1 = affine_map<(d0, d1) -> (0, 0, 0, 0)>
#map2 = affine_map<(d0, d1) -> (0, 0, 0)>
module attributes {stable_mosaic.version = 14 : i64} {
  func.func @_sc_propagate(%arg0: i32, %arg1: i32, %arg2: memref<10000x128xf32, #tpu.memory_space<hbm>>, %arg3: memref<2x16x80x128xi32, #tpu.memory_space<hbm>>, %arg4: memref<2x16x80x128xi32, #tpu.memory_space<hbm>>, %arg5: memref<2x10240x128xf32, #tpu.memory_space<hbm>>, %arg6: memref<80x128xi32, #tpu.memory_space<vmem>>, %arg7: memref<128xi32, #tpu.memory_space<vmem>>, %arg8: memref<128xi32, #tpu.memory_space<vmem>>, %arg9: memref<128x128xf32, #tpu.memory_space<vmem>>, %arg10: memref<128x128xf32, #tpu.memory_space<vmem>>, %arg11: memref<10240x128xf32, #tpu.memory_space<vmem_shared>>, %arg12: memref<!tpu.dma_semaphore, #tpu.memory_space<semaphore_mem>>, %arg13: memref<!tpu.dma_semaphore, #tpu.memory_space<semaphore_mem>>, %arg14: memref<!tpu.dma_semaphore, #tpu.memory_space<semaphore_mem>>, %arg15: memref<!tpu.dma_semaphore, #tpu.memory_space<semaphore_mem>>) attributes {dimension_semantics = [#tpu.dimension_semantics<core_parallel>, #tpu.dimension_semantics<subcore_parallel>], iteration_bounds = array<i64: 2, 16>, scalar_prefetch = 0 : i64, scratch_operands = 10 : i64, tpu.core_type = #tpu.core_type<sc_vector_subcore>, window_params = [{transform_indices = #map}, {transform_indices = #map1}, {transform_indices = #map1}, {transform_indices = #map2}]} {
    %dma_start3A = arith.constant 0 : i32
    %dma_start3A_0 = arith.constant 0 : i32
    %dma_start3A_1 = tpu.memref_slice %arg3[%arg0, %arg1, %dma_start3A, %dma_start3A_0] : memref<2x16x80x128xi32, #tpu.memory_space<hbm>> -> memref<1x1x80x128xi32, #tpu.memory_space<hbm>>
    %dma_start3A_2 = tpu.memref_squeeze %dma_start3A_1 : memref<1x1x80x128xi32, #tpu.memory_space<hbm>> -> memref<80x128xi32, #tpu.memory_space<hbm>>
    %dma_start3A_3 = arith.constant 0 : i32
    %dma_start3A_4 = arith.constant 0 : i32
    %dma_start3A_5 = tpu.memref_slice %arg3[%arg0, %arg1, %dma_start3A_3, %dma_start3A_4] : memref<2x16x80x128xi32, #tpu.memory_space<hbm>> -> memref<1x1x80x128xi32, #tpu.memory_space<hbm>>
    %dma_start3A_6 = tpu.memref_squeeze %dma_start3A_5 : memref<1x1x80x128xi32, #tpu.memory_space<hbm>> -> memref<80x128xi32, #tpu.memory_space<hbm>>
    tpu.enqueue_dma source(%dma_start3A_6 : memref<80x128xi32, #tpu.memory_space<hbm>>) target(%arg6 : memref<80x128xi32, #tpu.memory_space<vmem>>) target_semaphore(%arg13 : memref<!tpu.dma_semaphore, #tpu.memory_space<semaphore_mem>>)
    %broadcast_in_dim3A = arith.constant 0.000000e+00 : f32
    %broadcast_in_dim3A_7 = vector.broadcast %broadcast_in_dim3A : f32 to vector<16xf32>
    %scan3A = arith.constant 0 : i32
    %scan3A_8 = arith.constant 0 : i32
    %scan3A_9 = arith.constant 128 : i32
    %scan3A_10 = arith.addi %scan3A_8, %scan3A_9 : i32
    %scan3A_11 = arith.constant 1 : i32
    scf.for %scan3A_63 = %scan3A_8 to %scan3A_10 step %scan3A_11  : i32 {
      %swap3A = arith.index_cast %scan3A_63 : i32 to index
      %swap3A_64 = arith.constant 0 : index
      %swap3A_65 = tpu.vector_load %arg9[%swap3A, %swap3A_64] {strides = array<i32>} : memref<128x128xf32, #tpu.memory_space<vmem>>, vector<1x16xf32>,
      %swap3A_66 = vector.shape_cast %swap3A_65 : vector<1x16xf32> to vector<16xf32>
      %swap3A_67 = vector.shape_cast %broadcast_in_dim3A_7 : vector<16xf32> to vector<1x16xf32>
      tpu.vector_store %arg9[%swap3A, %swap3A_64], %swap3A_67 {strides = array<i32>} : memref<128x128xf32, #tpu.memory_space<vmem>>, vector<1x16xf32>,
      %swap3A_68 = arith.index_cast %scan3A_63 : i32 to index
      %swap3A_69 = arith.constant 16 : index
      %swap3A_70 = tpu.vector_load %arg9[%swap3A_68, %swap3A_69] {strides = array<i32>} : memref<128x128xf32, #tpu.memory_space<vmem>>, vector<1x16xf32>,
      %swap3A_71 = vector.shape_cast %swap3A_70 : vector<1x16xf32> to vector<16xf32>
      %swap3A_72 = vector.shape_cast %broadcast_in_dim3A_7 : vector<16xf32> to vector<1x16xf32>
      tpu.vector_store %arg9[%swap3A_68, %swap3A_69], %swap3A_72 {strides = array<i32>} : memref<128x128xf32, #tpu.memory_space<vmem>>, vector<1x16xf32>,
      %swap3A_73 = arith.index_cast %scan3A_63 : i32 to index
      %swap3A_74 = arith.constant 32 : index
      %swap3A_75 = tpu.vector_load %arg9[%swap3A_73, %swap3A_74] {strides = array<i32>} : memref<128x128xf32, #tpu.memory_space<vmem>>, vector<1x16xf32>,
      %swap3A_76 = vector.shape_cast %swap3A_75 : vector<1x16xf32> to vector<16xf32>
      %swap3A_77 = vector.shape_cast %broadcast_in_dim3A_7 : vector<16xf32> to vector<1x16xf32>
      tpu.vector_store %arg9[%swap3A_73, %swap3A_74], %swap3A_77 {strides = array<i32>} : memref<128x128xf32, #tpu.memory_space<vmem>>, vector<1x16xf32>,
      %swap3A_78 = arith.index_cast %scan3A_63 : i32 to index
      %swap3A_79 = arith.constant 48 : index
      %swap3A_80 = tpu.vector_load %arg9[%swap3A_78, %swap3A_79] {strides = array<i32>} : memref<128x128xf32, #tpu.memory_space<vmem>>, vector<1x16xf32>,
      %swap3A_81 = vector.shape_cast %swap3A_80 : vector<1x16xf32> to vector<16xf32>
      %swap3A_82 = vector.shape_cast %broadcast_in_dim3A_7 : vector<16xf32> to vector<1x16xf32>
      tpu.vector_store %arg9[%swap3A_78, %swap3A_79], %swap3A_82 {strides = array<i32>} : memref<128x128xf32, #tpu.memory_space<vmem>>, vector<1x16xf32>,
      %swap3A_83 = arith.index_cast %scan3A_63 : i32 to index
      %swap3A_84 = arith.constant 64 : index
      %swap3A_85 = tpu.vector_load %arg9[%swap3A_83, %swap3A_84] {strides = array<i32>} : memref<128x128xf32, #tpu.memory_space<vmem>>, vector<1x16xf32>,
      %swap3A_86 = vector.shape_cast %swap3A_85 : vector<1x16xf32> to vector<16xf32>
      %swap3A_87 = vector.shape_cast %broadcast_in_dim3A_7 : vector<16xf32> to vector<1x16xf32>
      tpu.vector_store %arg9[%swap3A_83, %swap3A_84], %swap3A_87 {strides = array<i32>} : memref<128x128xf32, #tpu.memory_space<vmem>>, vector<1x16xf32>,
      %swap3A_88 = arith.index_cast %scan3A_63 : i32 to index
      %swap3A_89 = arith.constant 80 : index
      %swap3A_90 = tpu.vector_load %arg9[%swap3A_88, %swap3A_89] {strides = array<i32>} : memref<128x128xf32, #tpu.memory_space<vmem>>, vector<1x16xf32>,
      %swap3A_91 = vector.shape_cast %swap3A_90 : vector<1x16xf32> to vector<16xf32>
      %swap3A_92 = vector.shape_cast %broadcast_in_dim3A_7 : vector<16xf32> to vector<1x16xf32>
      tpu.vector_store %arg9[%swap3A_88, %swap3A_89], %swap3A_92 {strides = array<i32>} : memref<128x128xf32, #tpu.memory_space<vmem>>, vector<1x16xf32>,
      %swap3A_93 = arith.index_cast %scan3A_63 : i32 to index
      %swap3A_94 = arith.constant 96 : index
      %swap3A_95 = tpu.vector_load %arg9[%swap3A_93, %swap3A_94] {strides = array<i32>} : memref<128x128xf32, #tpu.memory_space<vmem>>, vector<1x16xf32>,
      %swap3A_96 = vector.shape_cast %swap3A_95 : vector<1x16xf32> to vector<16xf32>
      %swap3A_97 = vector.shape_cast %broadcast_in_dim3A_7 : vector<16xf32> to vector<1x16xf32>
      tpu.vector_store %arg9[%swap3A_93, %swap3A_94], %swap3A_97 {strides = array<i32>} : memref<128x128xf32, #tpu.memory_space<vmem>>, vector<1x16xf32>,
      %swap3A_98 = arith.index_cast %scan3A_63 : i32 to index
      %swap3A_99 = arith.constant 112 : index
      %swap3A_100 = tpu.vector_load %arg9[%swap3A_98, %swap3A_99] {strides = array<i32>} : memref<128x128xf32, #tpu.memory_space<vmem>>, vector<1x16xf32>,
      %swap3A_101 = vector.shape_cast %swap3A_100 : vector<1x16xf32> to vector<16xf32>
      %swap3A_102 = vector.shape_cast %broadcast_in_dim3A_7 : vector<16xf32> to vector<1x16xf32>
      tpu.vector_store %arg9[%swap3A_98, %swap3A_99], %swap3A_102 {strides = array<i32>} : memref<128x128xf32, #tpu.memory_space<vmem>>, vector<1x16xf32>,
    }
    %scan3A_12 = arith.constant 128 : i32
    %mul3A = arith.constant 640 : i32
    %mul3A_13 = arith.muli %arg1, %mul3A : i32
    %add3A = arith.constant 0 : i32
    %add3A_14 = arith.addi %mul3A_13, %add3A : i32
    "tpu.region"() ({
      %run_scoped3A = tpu.sem_alloc : memref<!tpu.dma_semaphore, #tpu.memory_space<semaphore_mem>>
      %dma_start3A_63 = arith.constant 0 : i32
      %dma_start3A_64 = tpu.memref_slice %arg11[%add3A_14, %dma_start3A_63] : memref<10240x128xf32, #tpu.memory_space<vmem_shared>> -> memref<128x128xf32, #tpu.memory_space<vmem_shared>>
      %dma_start3A_65 = arith.constant 0 : i32
      %dma_start3A_66 = tpu.memref_slice %arg11[%add3A_14, %dma_start3A_65] : memref<10240x128xf32, #tpu.memory_space<vmem_shared>> -> memref<128x128xf32, #tpu.memory_space<vmem_shared>>
      tpu.enqueue_dma source(%arg9 : memref<128x128xf32, #tpu.memory_space<vmem>>) target(%dma_start3A_66 : memref<128x128xf32, #tpu.memory_space<vmem_shared>>) target_semaphore(%run_scoped3A : memref<!tpu.dma_semaphore, #tpu.memory_space<semaphore_mem>>)
      %dma_wait3A_67 = arith.constant 0 : i32
      %dma_wait3A_68 = tpu.memref_slice %arg11[%add3A_14, %dma_wait3A_67] : memref<10240x128xf32, #tpu.memory_space<vmem_shared>> -> memref<128x128xf32, #tpu.memory_space<vmem_shared>>
      %dma_wait3A_69 = arith.constant 0 : i32
      %dma_wait3A_70 = tpu.memref_slice %arg11[%add3A_14, %dma_wait3A_69] : memref<10240x128xf32, #tpu.memory_space<vmem_shared>> -> memref<128x128xf32, #tpu.memory_space<vmem_shared>>
      tpu.wait_dma2 semaphore(%run_scoped3A : memref<!tpu.dma_semaphore, #tpu.memory_space<semaphore_mem>>) src(%arg9 : memref<128x128xf32, #tpu.memory_space<vmem>>) dst(%dma_wait3A_70 : memref<128x128xf32, #tpu.memory_space<vmem_shared>>)
      tpu.yield
    }) : () -> ()
    %mul3A_15 = arith.constant 640 : i32
    %mul3A_16 = arith.muli %arg1, %mul3A_15 : i32
    %add3A_17 = arith.constant 128 : i32
    %add3A_18 = arith.addi %mul3A_16, %add3A_17 : i32
    "tpu.region"() ({
      %run_scoped3A = tpu.sem_alloc : memref<!tpu.dma_semaphore, #tpu.memory_space<semaphore_mem>>
      %dma_start3A_63 = arith.constant 0 : i32
      %dma_start3A_64 = tpu.memref_slice %arg11[%add3A_18, %dma_start3A_63] : memref<10240x128xf32, #tpu.memory_space<vmem_shared>> -> memref<128x128xf32, #tpu.memory_space<vmem_shared>>
      %dma_start3A_65 = arith.constant 0 : i32
      %dma_start3A_66 = tpu.memref_slice %arg11[%add3A_18, %dma_start3A_65] : memref<10240x128xf32, #tpu.memory_space<vmem_shared>> -> memref<128x128xf32, #tpu.memory_space<vmem_shared>>
      tpu.enqueue_dma source(%arg9 : memref<128x128xf32, #tpu.memory_space<vmem>>) target(%dma_start3A_66 : memref<128x128xf32, #tpu.memory_space<vmem_shared>>) target_semaphore(%run_scoped3A : memref<!tpu.dma_semaphore, #tpu.memory_space<semaphore_mem>>)
      %dma_wait3A_67 = arith.constant 0 : i32
      %dma_wait3A_68 = tpu.memref_slice %arg11[%add3A_18, %dma_wait3A_67] : memref<10240x128xf32, #tpu.memory_space<vmem_shared>> -> memref<128x128xf32, #tpu.memory_space<vmem_shared>>
      %dma_wait3A_69 = arith.constant 0 : i32
      %dma_wait3A_70 = tpu.memref_slice %arg11[%add3A_18, %dma_wait3A_69] : memref<10240x128xf32, #tpu.memory_space<vmem_shared>> -> memref<128x128xf32, #tpu.memory_space<vmem_shared>>
      tpu.wait_dma2 semaphore(%run_scoped3A : memref<!tpu.dma_semaphore, #tpu.memory_space<semaphore_mem>>) src(%arg9 : memref<128x128xf32, #tpu.memory_space<vmem>>) dst(%dma_wait3A_70 : memref<128x128xf32, #tpu.memory_space<vmem_shared>>)
      tpu.yield
    }) : () -> ()
    %mul3A_19 = arith.constant 640 : i32
    %mul3A_20 = arith.muli %arg1, %mul3A_19 : i32
    %add3A_21 = arith.constant 256 : i32
    %add3A_22 = arith.addi %mul3A_20, %add3A_21 : i32
    "tpu.region"() ({
      %run_scoped3A = tpu.sem_alloc : memref<!tpu.dma_semaphore, #tpu.memory_space<semaphore_mem>>
      %dma_start3A_63 = arith.constant 0 : i32
      %dma_start3A_64 = tpu.memref_slice %arg11[%add3A_22, %dma_start3A_63] : memref<10240x128xf32, #tpu.memory_space<vmem_shared>> -> memref<128x128xf32, #tpu.memory_space<vmem_shared>>
      %dma_start3A_65 = arith.constant 0 : i32
      %dma_start3A_66 = tpu.memref_slice %arg11[%add3A_22, %dma_start3A_65] : memref<10240x128xf32, #tpu.memory_space<vmem_shared>> -> memref<128x128xf32, #tpu.memory_space<vmem_shared>>
      tpu.enqueue_dma source(%arg9 : memref<128x128xf32, #tpu.memory_space<vmem>>) target(%dma_start3A_66 : memref<128x128xf32, #tpu.memory_space<vmem_shared>>) target_semaphore(%run_scoped3A : memref<!tpu.dma_semaphore, #tpu.memory_space<semaphore_mem>>)
      %dma_wait3A_67 = arith.constant 0 : i32
      %dma_wait3A_68 = tpu.memref_slice %arg11[%add3A_22, %dma_wait3A_67] : memref<10240x128xf32, #tpu.memory_space<vmem_shared>> -> memref<128x128xf32, #tpu.memory_space<vmem_shared>>
      %dma_wait3A_69 = arith.constant 0 : i32
      %dma_wait3A_70 = tpu.memref_slice %arg11[%add3A_22, %dma_wait3A_69] : memref<10240x128xf32, #tpu.memory_space<vmem_shared>> -> memref<128x128xf32, #tpu.memory_space<vmem_shared>>
      tpu.wait_dma2 semaphore(%run_scoped3A : memref<!tpu.dma_semaphore, #tpu.memory_space<semaphore_mem>>) src(%arg9 : memref<128x128xf32, #tpu.memory_space<vmem>>) dst(%dma_wait3A_70 : memref<128x128xf32, #tpu.memory_space<vmem_shared>>)
      tpu.yield
    }) : () -> ()
    %mul3A_23 = arith.constant 640 : i32
    %mul3A_24 = arith.muli %arg1, %mul3A_23 : i32
    %add3A_25 = arith.constant 384 : i32
    %add3A_26 = arith.addi %mul3A_24, %add3A_25 : i32
    "tpu.region"() ({
      %run_scoped3A = tpu.sem_alloc : memref<!tpu.dma_semaphore, #tpu.memory_space<semaphore_mem>>
      %dma_start3A_63 = arith.constant 0 : i32
      %dma_start3A_64 = tpu.memref_slice %arg11[%add3A_26, %dma_start3A_63] : memref<10240x128xf32, #tpu.memory_space<vmem_shared>> -> memref<128x128xf32, #tpu.memory_space<vmem_shared>>
      %dma_start3A_65 = arith.constant 0 : i32
      %dma_start3A_66 = tpu.memref_slice %arg11[%add3A_26, %dma_start3A_65] : memref<10240x128xf32, #tpu.memory_space<vmem_shared>> -> memref<128x128xf32, #tpu.memory_space<vmem_shared>>
      tpu.enqueue_dma source(%arg9 : memref<128x128xf32, #tpu.memory_space<vmem>>) target(%dma_start3A_66 : memref<128x128xf32, #tpu.memory_space<vmem_shared>>) target_semaphore(%run_scoped3A : memref<!tpu.dma_semaphore, #tpu.memory_space<semaphore_mem>>)
      %dma_wait3A_67 = arith.constant 0 : i32
      %dma_wait3A_68 = tpu.memref_slice %arg11[%add3A_26, %dma_wait3A_67] : memref<10240x128xf32, #tpu.memory_space<vmem_shared>> -> memref<128x128xf32, #tpu.memory_space<vmem_shared>>
      %dma_wait3A_69 = arith.constant 0 : i32
      %dma_wait3A_70 = tpu.memref_slice %arg11[%add3A_26, %dma_wait3A_69] : memref<10240x128xf32, #tpu.memory_space<vmem_shared>> -> memref<128x128xf32, #tpu.memory_space<vmem_shared>>
      tpu.wait_dma2 semaphore(%run_scoped3A : memref<!tpu.dma_semaphore, #tpu.memory_space<semaphore_mem>>) src(%arg9 : memref<128x128xf32, #tpu.memory_space<vmem>>) dst(%dma_wait3A_70 : memref<128x128xf32, #tpu.memory_space<vmem_shared>>)
      tpu.yield
    }) : () -> ()
    %mul3A_27 = arith.constant 640 : i32
    %mul3A_28 = arith.muli %arg1, %mul3A_27 : i32
    %add3A_29 = arith.constant 512 : i32
    %add3A_30 = arith.addi %mul3A_28, %add3A_29 : i32
    "tpu.region"() ({
      %run_scoped3A = tpu.sem_alloc : memref<!tpu.dma_semaphore, #tpu.memory_space<semaphore_mem>>
      %dma_start3A_63 = arith.constant 0 : i32
      %dma_start3A_64 = tpu.memref_slice %arg11[%add3A_30, %dma_start3A_63] : memref<10240x128xf32, #tpu.memory_space<vmem_shared>> -> memref<128x128xf32, #tpu.memory_space<vmem_shared>>
      %dma_start3A_65 = arith.constant 0 : i32
      %dma_start3A_66 = tpu.memref_slice %arg11[%add3A_30, %dma_start3A_65] : memref<10240x128xf32, #tpu.memory_space<vmem_shared>> -> memref<128x128xf32, #tpu.memory_space<vmem_shared>>
      tpu.enqueue_dma source(%arg9 : memref<128x128xf32, #tpu.memory_space<vmem>>) target(%dma_start3A_66 : memref<128x128xf32, #tpu.memory_space<vmem_shared>>) target_semaphore(%run_scoped3A : memref<!tpu.dma_semaphore, #tpu.memory_space<semaphore_mem>>)
      %dma_wait3A_67 = arith.constant 0 : i32
      %dma_wait3A_68 = tpu.memref_slice %arg11[%add3A_30, %dma_wait3A_67] : memref<10240x128xf32, #tpu.memory_space<vmem_shared>> -> memref<128x128xf32, #tpu.memory_space<vmem_shared>>
      %dma_wait3A_69 = arith.constant 0 : i32
      %dma_wait3A_70 = tpu.memref_slice %arg11[%add3A_30, %dma_wait3A_69] : memref<10240x128xf32, #tpu.memory_space<vmem_shared>> -> memref<128x128xf32, #tpu.memory_space<vmem_shared>>
      tpu.wait_dma2 semaphore(%run_scoped3A : memref<!tpu.dma_semaphore, #tpu.memory_space<semaphore_mem>>) src(%arg9 : memref<128x128xf32, #tpu.memory_space<vmem>>) dst(%dma_wait3A_70 : memref<128x128xf32, #tpu.memory_space<vmem_shared>>)
      tpu.yield
    }) : () -> ()
    %dma_wait3A = arith.constant 0 : i32
    %dma_wait3A_31 = arith.constant 0 : i32
    %dma_wait3A_32 = tpu.memref_slice %arg3[%arg0, %arg1, %dma_wait3A, %dma_wait3A_31] : memref<2x16x80x128xi32, #tpu.memory_space<hbm>> -> memref<1x1x80x128xi32, #tpu.memory_space<hbm>>
    %dma_wait3A_33 = tpu.memref_squeeze %dma_wait3A_32 : memref<1x1x80x128xi32, #tpu.memory_space<hbm>> -> memref<80x128xi32, #tpu.memory_space<hbm>>
    %dma_wait3A_34 = arith.constant 0 : i32
    %dma_wait3A_35 = arith.constant 0 : i32
    %dma_wait3A_36 = tpu.memref_slice %arg3[%arg0, %arg1, %dma_wait3A_34, %dma_wait3A_35] : memref<2x16x80x128xi32, #tpu.memory_space<hbm>> -> memref<1x1x80x128xi32, #tpu.memory_space<hbm>>
    %dma_wait3A_37 = tpu.memref_squeeze %dma_wait3A_36 : memref<1x1x80x128xi32, #tpu.memory_space<hbm>> -> memref<80x128xi32, #tpu.memory_space<hbm>>
    tpu.wait_dma2 semaphore(%arg13 : memref<!tpu.dma_semaphore, #tpu.memory_space<semaphore_mem>>) src(%dma_wait3A_37 : memref<80x128xi32, #tpu.memory_space<hbm>>) dst(%arg6 : memref<80x128xi32, #tpu.memory_space<vmem>>)
    %dma_start3A_38 = arith.constant 0 : i32
    %dma_start3A_39 = arith.constant 0 : i32
    %dma_start3A_40 = tpu.memref_slice %arg6[%dma_start3A_38, %dma_start3A_39] : memref<80x128xi32, #tpu.memory_space<vmem>> -> memref<1x128xi32, #tpu.memory_space<vmem>>
    %dma_start3A_41 = tpu.memref_squeeze %dma_start3A_40 : memref<1x128xi32, #tpu.memory_space<vmem>> -> memref<128xi32, #tpu.memory_space<vmem>>
    %dma_start3A_42 = arith.constant 0 : i32
    %dma_start3A_43 = arith.constant 0 : i32
    %dma_start3A_44 = tpu.memref_slice %arg2[%dma_start3A_42, %dma_start3A_43] : memref<10000x128xf32, #tpu.memory_space<hbm>> -> memref<10000x128xf32, #tpu.memory_space<hbm>>
    tpu.enqueue_indirect_dma source(%dma_start3A_44 : memref<10000x128xf32, #tpu.memory_space<hbm>>) target(%arg9 : memref<128x128xf32, #tpu.memory_space<vmem>>) offsets(%dma_start3A_41 : memref<128xi32, #tpu.memory_space<vmem>>) semaphore(%arg12 : memref<!tpu.dma_semaphore, #tpu.memory_space<semaphore_mem>>)
    %dma_start3A_45 = arith.constant 0 : i32
    %dma_start3A_46 = arith.constant 0 : i32
    %dma_start3A_47 = tpu.memref_slice %arg4[%arg0, %arg1, %dma_start3A_45, %dma_start3A_46] : memref<2x16x80x128xi32, #tpu.memory_space<hbm>> -> memref<1x1x1x128xi32, #tpu.memory_space<hbm>>
    %dma_start3A_48 = tpu.memref_squeeze %dma_start3A_47 : memref<1x1x1x128xi32, #tpu.memory_space<hbm>> -> memref<128xi32, #tpu.memory_space<hbm>>
    %dma_start3A_49 = arith.constant 0 : i32
    %dma_start3A_50 = tpu.memref_slice %arg4[%arg0, %arg1, %dma_start3A_45, %dma_start3A_49] : memref<2x16x80x128xi32, #tpu.memory_space<hbm>> -> memref<1x1x1x128xi32, #tpu.memory_space<hbm>>
    %dma_start3A_51 = tpu.memref_squeeze %dma_start3A_50 : memref<1x1x1x128xi32, #tpu.memory_space<hbm>> -> memref<128xi32, #tpu.memory_space<hbm>>
    tpu.enqueue_dma source(%dma_start3A_51 : memref<128xi32, #tpu.memory_space<hbm>>) target(%arg7 : memref<128xi32, #tpu.memory_space<vmem>>) target_semaphore(%arg14 : memref<!tpu.dma_semaphore, #tpu.memory_space<semaphore_mem>>)
    %barrier3A = arith.constant 0 : index
    tpu.barrier barrier_id(%barrier3A)
    %scan3A_52 = arith.constant 0 : i32
    %scan3A_53 = arith.constant 0 : i32
    %scan3A_54 = arith.constant 40 : i32
    %scan3A_55 = arith.addi %scan3A_53, %scan3A_54 : i32
    %scan3A_56 = arith.constant 1 : i32
    scf.for %scan3A_63 = %scan3A_53 to %scan3A_55 step %scan3A_56  : i32 {
      %mul3A_64 = arith.constant 2 : i32
      %mul3A_65 = arith.muli %mul3A_64, %scan3A_63 : i32
      %add3A_66 = arith.constant 1 : i32
      %add3A_67 = arith.addi %mul3A_65, %add3A_66 : i32
      %dma_start3A_68 = arith.constant 0 : i32
      %dma_start3A_69 = tpu.memref_slice %arg6[%add3A_67, %dma_start3A_68] : memref<80x128xi32, #tpu.memory_space<vmem>> -> memref<1x128xi32, #tpu.memory_space<vmem>>
      %dma_start3A_70 = tpu.memref_squeeze %dma_start3A_69 : memref<1x128xi32, #tpu.memory_space<vmem>> -> memref<128xi32, #tpu.memory_space<vmem>>
      %dma_start3A_71 = arith.constant 0 : i32
      %dma_start3A_72 = arith.constant 0 : i32
      %dma_start3A_73 = tpu.memref_slice %arg2[%dma_start3A_71, %dma_start3A_72] : memref<10000x128xf32, #tpu.memory_space<hbm>> -> memref<10000x128xf32, #tpu.memory_space<hbm>>
      tpu.enqueue_indirect_dma source(%dma_start3A_73 : memref<10000x128xf32, #tpu.memory_space<hbm>>) target(%arg10 : memref<128x128xf32, #tpu.memory_space<vmem>>) offsets(%dma_start3A_70 : memref<128xi32, #tpu.memory_space<vmem>>) semaphore(%arg13 : memref<!tpu.dma_semaphore, #tpu.memory_space<semaphore_mem>>)
      %add3A_74 = arith.constant 1 : i32
      %add3A_75 = arith.addi %mul3A_65, %add3A_74 : i32
      %dma_start3A_76 = arith.constant 0 : i32
      %dma_start3A_77 = tpu.memref_slice %arg4[%arg0, %arg1, %add3A_75, %dma_start3A_76] : memref<2x16x80x128xi32, #tpu.memory_space<hbm>> -> memref<1x1x1x128xi32, #tpu.memory_space<hbm>>
      %dma_start3A_78 = tpu.memref_squeeze %dma_start3A_77 : memref<1x1x1x128xi32, #tpu.memory_space<hbm>> -> memref<128xi32, #tpu.memory_space<hbm>>
      %dma_start3A_79 = arith.constant 0 : i32
      %dma_start3A_80 = tpu.memref_slice %arg4[%arg0, %arg1, %add3A_75, %dma_start3A_79] : memref<2x16x80x128xi32, #tpu.memory_space<hbm>> -> memref<1x1x1x128xi32, #tpu.memory_space<hbm>>
      %dma_start3A_81 = tpu.memref_squeeze %dma_start3A_80 : memref<1x1x1x128xi32, #tpu.memory_space<hbm>> -> memref<128xi32, #tpu.memory_space<hbm>>
      tpu.enqueue_dma source(%dma_start3A_81 : memref<128xi32, #tpu.memory_space<hbm>>) target(%arg8 : memref<128xi32, #tpu.memory_space<vmem>>) target_semaphore(%arg15 : memref<!tpu.dma_semaphore, #tpu.memory_space<semaphore_mem>>)
      %dma_wait3A_82 = arith.constant 0 : i32
      %dma_wait3A_83 = tpu.memref_slice %arg6[%mul3A_65, %dma_wait3A_82] : memref<80x128xi32, #tpu.memory_space<vmem>> -> memref<1x128xi32, #tpu.memory_space<vmem>>
      %dma_wait3A_84 = tpu.memref_squeeze %dma_wait3A_83 : memref<1x128xi32, #tpu.memory_space<vmem>> -> memref<128xi32, #tpu.memory_space<vmem>>
      %dma_wait3A_85 = arith.constant 0 : i32
      %dma_wait3A_86 = arith.constant 0 : i32
      %dma_wait3A_87 = tpu.memref_slice %arg2[%dma_wait3A_85, %dma_wait3A_86] : memref<10000x128xf32, #tpu.memory_space<hbm>> -> memref<10000x128xf32, #tpu.memory_space<hbm>>
      tpu.wait_indirect_dma semaphore(%arg12 : memref<!tpu.dma_semaphore, #tpu.memory_space<semaphore_mem>>) src(%dma_wait3A_87 : memref<10000x128xf32, #tpu.memory_space<hbm>>) dst(%arg9 : memref<128x128xf32, #tpu.memory_space<vmem>>)
      %dma_wait3A_88 = arith.constant 0 : i32
      %dma_wait3A_89 = tpu.memref_slice %arg4[%arg0, %arg1, %mul3A_65, %dma_wait3A_88] : memref<2x16x80x128xi32, #tpu.memory_space<hbm>> -> memref<1x1x1x128xi32, #tpu.memory_space<hbm>>
      %dma_wait3A_90 = tpu.memref_squeeze %dma_wait3A_89 : memref<1x1x1x128xi32, #tpu.memory_space<hbm>> -> memref<128xi32, #tpu.memory_space<hbm>>
      %dma_wait3A_91 = arith.constant 0 : i32
      %dma_wait3A_92 = tpu.memref_slice %arg4[%arg0, %arg1, %mul3A_65, %dma_wait3A_91] : memref<2x16x80x128xi32, #tpu.memory_space<hbm>> -> memref<1x1x1x128xi32, #tpu.memory_space<hbm>>
      %dma_wait3A_93 = tpu.memref_squeeze %dma_wait3A_92 : memref<1x1x1x128xi32, #tpu.memory_space<hbm>> -> memref<128xi32, #tpu.memory_space<hbm>>
      tpu.wait_dma2 semaphore(%arg14 : memref<!tpu.dma_semaphore, #tpu.memory_space<semaphore_mem>>) src(%dma_wait3A_93 : memref<128xi32, #tpu.memory_space<hbm>>) dst(%arg7 : memref<128xi32, #tpu.memory_space<vmem>>)
      "tpu.region"() ({
        %run_scoped3A = tpu.sem_alloc : memref<!tpu.dma_semaphore, #tpu.memory_space<semaphore_mem>>
        %dma_start3A_114 = arith.constant 0 : i32
        %dma_start3A_115 = arith.constant 0 : i32
        %dma_start3A_116 = tpu.memref_slice %arg11[%dma_start3A_114, %dma_start3A_115] : memref<10240x128xf32, #tpu.memory_space<vmem_shared>> -> memref<10240x128xf32, #tpu.memory_space<vmem_shared>>
        tpu.enqueue_indirect_dma source(%arg9 : memref<128x128xf32, #tpu.memory_space<vmem>>) target(%dma_start3A_116 : memref<10240x128xf32, #tpu.memory_space<vmem_shared>>) offsets(%arg7 : memref<128xi32, #tpu.memory_space<vmem>>) semaphore(%run_scoped3A : memref<!tpu.dma_semaphore, #tpu.memory_space<semaphore_mem>>) {add = true}
        %dma_wait3A_117 = arith.constant 0 : i32
        %dma_wait3A_118 = arith.constant 0 : i32
        %dma_wait3A_119 = tpu.memref_slice %arg11[%dma_wait3A_117, %dma_wait3A_118] : memref<10240x128xf32, #tpu.memory_space<vmem_shared>> -> memref<10240x128xf32, #tpu.memory_space<vmem_shared>>
        tpu.wait_indirect_dma semaphore(%run_scoped3A : memref<!tpu.dma_semaphore, #tpu.memory_space<semaphore_mem>>) src(%arg9 : memref<128x128xf32, #tpu.memory_space<vmem>>) dst(%dma_wait3A_119 : memref<10240x128xf32, #tpu.memory_space<vmem_shared>>)
        tpu.yield
      }) : () -> ()
      %add3A_94 = arith.constant 2 : i32
      %add3A_95 = arith.addi %mul3A_65, %add3A_94 : i32
      %lt3A = arith.constant 80 : i32
      %lt3A_96 = arith.cmpi slt, %add3A_95, %lt3A : i32
      %convert_element_type3A = arith.extui %lt3A_96 : i1 to i32
      %cond3A = arith.constant 0 : i32
      %cond3A_97 = arith.cmpi ne, %convert_element_type3A, %cond3A : i32
      scf.if %cond3A_97 {
        %add3A_114 = arith.constant 2 : i32
        %add3A_115 = arith.addi %mul3A_65, %add3A_114 : i32
        %dma_start3A_116 = arith.constant 0 : i32
        %dma_start3A_117 = tpu.memref_slice %arg6[%add3A_115, %dma_start3A_116] : memref<80x128xi32, #tpu.memory_space<vmem>> -> memref<1x128xi32, #tpu.memory_space<vmem>>
        %dma_start3A_118 = tpu.memref_squeeze %dma_start3A_117 : memref<1x128xi32, #tpu.memory_space<vmem>> -> memref<128xi32, #tpu.memory_space<vmem>>
        %dma_start3A_119 = arith.constant 0 : i32
        %dma_start3A_120 = arith.constant 0 : i32
        %dma_start3A_121 = tpu.memref_slice %arg2[%dma_start3A_119, %dma_start3A_120] : memref<10000x128xf32, #tpu.memory_space<hbm>> -> memref<10000x128xf32, #tpu.memory_space<hbm>>
        tpu.enqueue_indirect_dma source(%dma_start3A_121 : memref<10000x128xf32, #tpu.memory_space<hbm>>) target(%arg9 : memref<128x128xf32, #tpu.memory_space<vmem>>) offsets(%dma_start3A_118 : memref<128xi32, #tpu.memory_space<vmem>>) semaphore(%arg12 : memref<!tpu.dma_semaphore, #tpu.memory_space<semaphore_mem>>)
        %add3A_122 = arith.constant 2 : i32
        %add3A_123 = arith.addi %mul3A_65, %add3A_122 : i32
        %dma_start3A_124 = arith.constant 0 : i32
        %dma_start3A_125 = tpu.memref_slice %arg4[%arg0, %arg1, %add3A_123, %dma_start3A_124] : memref<2x16x80x128xi32, #tpu.memory_space<hbm>> -> memref<1x1x1x128xi32, #tpu.memory_space<hbm>>
        %dma_start3A_126 = tpu.memref_squeeze %dma_start3A_125 : memref<1x1x1x128xi32, #tpu.memory_space<hbm>> -> memref<128xi32, #tpu.memory_space<hbm>>
        %dma_start3A_127 = arith.constant 0 : i32
        %dma_start3A_128 = tpu.memref_slice %arg4[%arg0, %arg1, %add3A_123, %dma_start3A_127] : memref<2x16x80x128xi32, #tpu.memory_space<hbm>> -> memref<1x1x1x128xi32, #tpu.memory_space<hbm>>
        %dma_start3A_129 = tpu.memref_squeeze %dma_start3A_128 : memref<1x1x1x128xi32, #tpu.memory_space<hbm>> -> memref<128xi32, #tpu.memory_space<hbm>>
        tpu.enqueue_dma source(%dma_start3A_129 : memref<128xi32, #tpu.memory_space<hbm>>) target(%arg7 : memref<128xi32, #tpu.memory_space<vmem>>) target_semaphore(%arg14 : memref<!tpu.dma_semaphore, #tpu.memory_space<semaphore_mem>>)
      } else {
      }
      %add3A_98 = arith.constant 1 : i32
      %add3A_99 = arith.addi %mul3A_65, %add3A_98 : i32
      %dma_wait3A_100 = arith.constant 0 : i32
      %dma_wait3A_101 = tpu.memref_slice %arg6[%add3A_99, %dma_wait3A_100] : memref<80x128xi32, #tpu.memory_space<vmem>> -> memref<1x128xi32, #tpu.memory_space<vmem>>
      %dma_wait3A_102 = tpu.memref_squeeze %dma_wait3A_101 : memref<1x128xi32, #tpu.memory_space<vmem>> -> memref<128xi32, #tpu.memory_space<vmem>>
      %dma_wait3A_103 = arith.constant 0 : i32
      %dma_wait3A_104 = arith.constant 0 : i32
      %dma_wait3A_105 = tpu.memref_slice %arg2[%dma_wait3A_103, %dma_wait3A_104] : memref<10000x128xf32, #tpu.memory_space<hbm>> -> memref<10000x128xf32, #tpu.memory_space<hbm>>
      tpu.wait_indirect_dma semaphore(%arg13 : memref<!tpu.dma_semaphore, #tpu.memory_space<semaphore_mem>>) src(%dma_wait3A_105 : memref<10000x128xf32, #tpu.memory_space<hbm>>) dst(%arg10 : memref<128x128xf32, #tpu.memory_space<vmem>>)
      %add3A_106 = arith.constant 1 : i32
      %add3A_107 = arith.addi %mul3A_65, %add3A_106 : i32
      %dma_wait3A_108 = arith.constant 0 : i32
      %dma_wait3A_109 = tpu.memref_slice %arg4[%arg0, %arg1, %add3A_107, %dma_wait3A_108] : memref<2x16x80x128xi32, #tpu.memory_space<hbm>> -> memref<1x1x1x128xi32, #tpu.memory_space<hbm>>
      %dma_wait3A_110 = tpu.memref_squeeze %dma_wait3A_109 : memref<1x1x1x128xi32, #tpu.memory_space<hbm>> -> memref<128xi32, #tpu.memory_space<hbm>>
      %dma_wait3A_111 = arith.constant 0 : i32
      %dma_wait3A_112 = tpu.memref_slice %arg4[%arg0, %arg1, %add3A_107, %dma_wait3A_111] : memref<2x16x80x128xi32, #tpu.memory_space<hbm>> -> memref<1x1x1x128xi32, #tpu.memory_space<hbm>>
      %dma_wait3A_113 = tpu.memref_squeeze %dma_wait3A_112 : memref<1x1x1x128xi32, #tpu.memory_space<hbm>> -> memref<128xi32, #tpu.memory_space<hbm>>
      tpu.wait_dma2 semaphore(%arg15 : memref<!tpu.dma_semaphore, #tpu.memory_space<semaphore_mem>>) src(%dma_wait3A_113 : memref<128xi32, #tpu.memory_space<hbm>>) dst(%arg8 : memref<128xi32, #tpu.memory_space<vmem>>)
      "tpu.region"() ({
        %run_scoped3A = tpu.sem_alloc : memref<!tpu.dma_semaphore, #tpu.memory_space<semaphore_mem>>
        %dma_start3A_114 = arith.constant 0 : i32
        %dma_start3A_115 = arith.constant 0 : i32
        %dma_start3A_116 = tpu.memref_slice %arg11[%dma_start3A_114, %dma_start3A_115] : memref<10240x128xf32, #tpu.memory_space<vmem_shared>> -> memref<10240x128xf32, #tpu.memory_space<vmem_shared>>
        tpu.enqueue_indirect_dma source(%arg10 : memref<128x128xf32, #tpu.memory_space<vmem>>) target(%dma_start3A_116 : memref<10240x128xf32, #tpu.memory_space<vmem_shared>>) offsets(%arg8 : memref<128xi32, #tpu.memory_space<vmem>>) semaphore(%run_scoped3A : memref<!tpu.dma_semaphore, #tpu.memory_space<semaphore_mem>>) {add = true}
        %dma_wait3A_117 = arith.constant 0 : i32
        %dma_wait3A_118 = arith.constant 0 : i32
        %dma_wait3A_119 = tpu.memref_slice %arg11[%dma_wait3A_117, %dma_wait3A_118] : memref<10240x128xf32, #tpu.memory_space<vmem_shared>> -> memref<10240x128xf32, #tpu.memory_space<vmem_shared>>
        tpu.wait_indirect_dma semaphore(%run_scoped3A : memref<!tpu.dma_semaphore, #tpu.memory_space<semaphore_mem>>) src(%arg10 : memref<128x128xf32, #tpu.memory_space<vmem>>) dst(%dma_wait3A_119 : memref<10240x128xf32, #tpu.memory_space<vmem_shared>>)
        tpu.yield
      }) : () -> ()
    }
    %scan3A_57 = arith.constant 40 : i32
    %barrier3A_58 = arith.constant 0 : index
    tpu.barrier barrier_id(%barrier3A_58)
    %mul3A_59 = arith.constant 640 : i32
    %mul3A_60 = arith.muli %arg1, %mul3A_59 : i32
    %mul3A_61 = arith.constant 640 : i32
    %mul3A_62 = arith.muli %arg1, %mul3A_61 : i32
    "tpu.region"() ({
      %run_scoped3A = tpu.sem_alloc : memref<!tpu.dma_semaphore, #tpu.memory_space<semaphore_mem>>
      %dma_start3A_63 = arith.constant 0 : i32
      %dma_start3A_64 = tpu.memref_slice %arg5[%arg0, %mul3A_62, %dma_start3A_63] : memref<2x10240x128xf32, #tpu.memory_space<hbm>> -> memref<1x640x128xf32, #tpu.memory_space<hbm>>
      %dma_start3A_65 = tpu.memref_squeeze %dma_start3A_64 : memref<1x640x128xf32, #tpu.memory_space<hbm>> -> memref<640x128xf32, #tpu.memory_space<hbm>>
      %dma_start3A_66 = arith.constant 0 : i32
      %dma_start3A_67 = tpu.memref_slice %arg11[%mul3A_60, %dma_start3A_66] : memref<10240x128xf32, #tpu.memory_space<vmem_shared>> -> memref<640x128xf32, #tpu.memory_space<vmem_shared>>
      tpu.enqueue_dma source(%dma_start3A_67 : memref<640x128xf32, #tpu.memory_space<vmem_shared>>) target(%dma_start3A_65 : memref<640x128xf32, #tpu.memory_space<hbm>>) target_semaphore(%run_scoped3A : memref<!tpu.dma_semaphore, #tpu.memory_space<semaphore_mem>>)
      %dma_wait3A_68 = arith.constant 0 : i32
      %dma_wait3A_69 = tpu.memref_slice %arg5[%arg0, %mul3A_62, %dma_wait3A_68] : memref<2x10240x128xf32, #tpu.memory_space<hbm>> -> memref<1x640x128xf32, #tpu.memory_space<hbm>>
      %dma_wait3A_70 = tpu.memref_squeeze %dma_wait3A_69 : memref<1x640x128xf32, #tpu.memory_space<hbm>> -> memref<640x128xf32, #tpu.memory_space<hbm>>
      %dma_wait3A_71 = arith.constant 0 : i32
      %dma_wait3A_72 = tpu.memref_slice %arg11[%mul3A_60, %dma_wait3A_71] : memref<10240x128xf32, #tpu.memory_space<vmem_shared>> -> memref<640x128xf32, #tpu.memory_space<vmem_shared>>
      tpu.wait_dma2 semaphore(%run_scoped3A : memref<!tpu.dma_semaphore, #tpu.memory_space<semaphore_mem>>) src(%dma_wait3A_72 : memref<640x128xf32, #tpu.memory_space<vmem_shared>>) dst(%dma_wait3A_70 : memref<640x128xf32, #tpu.memory_space<hbm>>)
      tpu.yield
    }) : () -> ()
    return
  }
}

module attributes {stable_mosaic.version = 14 : i64} {
  func.func @_tc_matmul(%arg0: i32, %arg1: memref<1000x128xf32, #tpu.memory_space<vmem>>, %arg2: memref<128x128xf32, #tpu.memory_space<vmem>>, %arg3: memref<1000x128xf32, #tpu.memory_space<vmem>>) attributes {dimension_semantics = [#tpu.dimension_semantics<arbitrary>], iteration_bounds = array<i64: 10>, scalar_prefetch = 0 : i64, scratch_operands = 0 : i64, tpu.core_type = #tpu.core_type<tc>, window_params = [{transform_indices = @transform_0, window_bounds = array<i64: 1000, 128>}, {pipeline_mode = #tpu.pipeline_mode<synchronous>, transform_indices = @transform_1, window_bounds = array<i64: 128, 128>}, {transform_indices = @transform_2, window_bounds = array<i64: 1000, 128>}]} {
    %get3A = arith.constant 0 : index
    %get3A_0 = arith.constant 0 : index
    %get3A_1 = vector.load %arg1[%get3A, %get3A_0] : memref<1000x128xf32, #tpu.memory_space<vmem>>, vector<1000x128xf32>
    %get3A_2 = arith.constant 0 : index
    %get3A_3 = arith.constant 0 : index
    %get3A_4 = vector.load %arg2[%get3A_2, %get3A_3] : memref<128x128xf32, #tpu.memory_space<vmem>>, vector<128x128xf32>
    %dot_general3A = arith.constant dense<0.000000e+00> : vector<1000x128xf32>
    %dot_general3A_5 = tpu.matmul %get3A_1, %get3A_4, %dot_general3A {dimension_numbers = #tpu.dot_dimension_numbers<[1], [0], [0], [1], [0, 0, 1, 1], [], []>, transpose_lhs_hint = false} : vector<1000x128xf32>, vector<128x128xf32>, vector<1000x128xf32> -> vector<1000x128xf32>
    %swap3A = arith.constant 0 : index
    %swap3A_6 = arith.constant 0 : index
    %swap3A_7 = vector.load %arg3[%swap3A, %swap3A_6] : memref<1000x128xf32, #tpu.memory_space<vmem>>, vector<1000x128xf32>
    tpu.vector_store %arg3[%swap3A, %swap3A_6], %dot_general3A_5 {strides = array<i32>} : memref<1000x128xf32, #tpu.memory_space<vmem>>, vector<1000x128xf32>,
    return
  }
  func.func @transform_0(%arg0: i32) -> (i32, i32) {
    %c0_i32 = arith.constant 0 : i32
    %c0_i32_0 = arith.constant 0 : i32
    return %arg0, %c0_i32 : i32, i32
  }
  func.func @transform_1(%arg0: i32) -> (i32, i32) {
    %c0_i32 = arith.constant 0 : i32
    %c0_i32_0 = arith.constant 0 : i32
    %c0_i32_1 = arith.constant 0 : i32
    return %c0_i32, %c0_i32_0 : i32, i32
  }
  func.func @transform_2(%arg0: i32) -> (i32, i32) {
    %c0_i32 = arith.constant 0 : i32
    %c0_i32_0 = arith.constant 0 : i32
    return %arg0, %c0_i32 : i32, i32
  }
}

module attributes {stable_mosaic.version = 14 : i64} {
  func.func @_tc_scale(%arg0: i32, %arg1: memref<1000x128xf32, #tpu.memory_space<vmem>>, %arg2: memref<2x1000x1xf32, #tpu.memory_space<vmem>>, %arg3: memref<1000x128xf32, #tpu.memory_space<vmem>>, %arg4: memref<1000x1xf32, #tpu.memory_space<vmem>>) attributes {dimension_semantics = [#tpu.dimension_semantics<arbitrary>], iteration_bounds = array<i64: 10>, scalar_prefetch = 0 : i64, scratch_operands = 0 : i64, tpu.core_type = #tpu.core_type<tc>, window_params = [{transform_indices = @transform_0, window_bounds = array<i64: 1000, 128>}, {transform_indices = @transform_1, window_bounds = array<i64: 2, 1000, 1>}, {transform_indices = @transform_2, window_bounds = array<i64: 1000, 128>}, {transform_indices = @transform_3, window_bounds = array<i64: 1000, 1>}]} {
    %get3A = arith.constant 0 : index
    %get3A_0 = arith.constant 0 : index
    %get3A_1 = arith.constant 0 : index
    %get3A_2 = vector.load %arg2[%get3A, %get3A_0, %get3A_1] : memref<2x1000x1xf32, #tpu.memory_space<vmem>>, vector<1x1000x1xf32>
    %get3A_3 = vector.shape_cast %get3A_2 : vector<1x1000x1xf32> to vector<1000x1xf32>
    %get3A_4 = arith.constant 1 : index
    %get3A_5 = arith.constant 0 : index
    %get3A_6 = arith.constant 0 : index
    %get3A_7 = vector.load %arg2[%get3A_4, %get3A_5, %get3A_6] : memref<2x1000x1xf32, #tpu.memory_space<vmem>>, vector<1x1000x1xf32>
    %get3A_8 = vector.shape_cast %get3A_7 : vector<1x1000x1xf32> to vector<1000x1xf32>
    %add3A = arith.addf %get3A_3, %get3A_8 : vector<1000x1xf32>
    %add3A_9 = arith.constant 1.000000e+00 : f32
    %add3A_10 = vector.broadcast %add3A_9 : f32 to vector<1000x1xf32>
    %add3A_11 = arith.addf %add3A, %add3A_10 : vector<1000x1xf32>
    %rsqrt3A = math.rsqrt %add3A_11 : vector<1000x1xf32>
    %get3A_12 = arith.constant 0 : index
    %get3A_13 = arith.constant 0 : index
    %get3A_14 = vector.load %arg1[%get3A_12, %get3A_13] : memref<1000x128xf32, #tpu.memory_space<vmem>>, vector<1000x128xf32>
    %mul3A = vector.broadcast %rsqrt3A : vector<1000x1xf32> to vector<1000x128xf32>
    %mul3A_15 = arith.mulf %get3A_14, %mul3A : vector<1000x128xf32>
    %swap3A = arith.constant 0 : index
    %swap3A_16 = arith.constant 0 : index
    %swap3A_17 = vector.load %arg3[%swap3A, %swap3A_16] : memref<1000x128xf32, #tpu.memory_space<vmem>>, vector<1000x128xf32>
    tpu.vector_store %arg3[%swap3A, %swap3A_16], %mul3A_15 {strides = array<i32>} : memref<1000x128xf32, #tpu.memory_space<vmem>>, vector<1000x128xf32>,
    %swap3A_18 = arith.constant 0 : index
    %swap3A_19 = arith.constant 0 : index
    %swap3A_20 = vector.load %arg4[%swap3A_18, %swap3A_19] : memref<1000x1xf32, #tpu.memory_space<vmem>>, vector<1000x1xf32>
    tpu.vector_store %arg4[%swap3A_18, %swap3A_19], %rsqrt3A {strides = array<i32>} : memref<1000x1xf32, #tpu.memory_space<vmem>>, vector<1000x1xf32>,
    return
  }
  func.func @transform_0(%arg0: i32) -> (i32, i32) {
    %c0_i32 = arith.constant 0 : i32
    %c0_i32_0 = arith.constant 0 : i32
    return %arg0, %c0_i32 : i32, i32
  }
  func.func @transform_1(%arg0: i32) -> (i32, i32, i32) {
    %c0_i32 = arith.constant 0 : i32
    %c0_i32_0 = arith.constant 0 : i32
    %c0_i32_1 = arith.constant 0 : i32
    return %c0_i32, %arg0, %c0_i32_0 : i32, i32, i32
  }
  func.func @transform_2(%arg0: i32) -> (i32, i32) {
    %c0_i32 = arith.constant 0 : i32
    %c0_i32_0 = arith.constant 0 : i32
    return %arg0, %c0_i32 : i32, i32
  }
  func.func @transform_3(%arg0: i32) -> (i32, i32) {
    %c0_i32 = arith.constant 0 : i32
    %c0_i32_0 = arith.constant 0 : i32
    return %arg0, %c0_i32 : i32, i32
  }
}

module attributes {stable_mosaic.version = 14 : i64} {
  func.func @_tc_mid(%arg0: i32, %arg1: memref<1x1000x128xf32, #tpu.memory_space<vmem>>, %arg2: memref<1x1000x128xf32, #tpu.memory_space<vmem>>, %arg3: memref<1000x128xf32, #tpu.memory_space<vmem>>, %arg4: memref<1000x1xf32, #tpu.memory_space<vmem>>, %arg5: memref<1x128xf32, #tpu.memory_space<vmem>>, %arg6: memref<128x128xf32, #tpu.memory_space<vmem>>, %arg7: memref<1000x128xf32, #tpu.memory_space<vmem>>) attributes {dimension_semantics = [#tpu.dimension_semantics<arbitrary>], iteration_bounds = array<i64: 10>, scalar_prefetch = 0 : i64, scratch_operands = 0 : i64, tpu.core_type = #tpu.core_type<tc>, window_params = [{transform_indices = @transform_0, window_bounds = array<i64: 1, 1000, 128>}, {transform_indices = @transform_1, window_bounds = array<i64: 1, 1000, 128>}, {transform_indices = @transform_2, window_bounds = array<i64: 1000, 128>}, {transform_indices = @transform_3, window_bounds = array<i64: 1000, 1>}, {pipeline_mode = #tpu.pipeline_mode<synchronous>, transform_indices = @transform_4, window_bounds = array<i64: 1, 128>}, {pipeline_mode = #tpu.pipeline_mode<synchronous>, transform_indices = @transform_5, window_bounds = array<i64: 128, 128>}, {transform_indices = @transform_6, window_bounds = array<i64: 1000, 128>}]} {
    %get3A = arith.constant 0 : index
    %get3A_0 = arith.constant 0 : index
    %get3A_1 = vector.load %arg4[%get3A, %get3A_0] : memref<1000x1xf32, #tpu.memory_space<vmem>>, vector<1000x1xf32>
    %get3A_2 = arith.constant 0 : index
    %get3A_3 = arith.constant 0 : index
    %get3A_4 = arith.constant 0 : index
    %get3A_5 = vector.load %arg1[%get3A_2, %get3A_3, %get3A_4] : memref<1x1000x128xf32, #tpu.memory_space<vmem>>, vector<1x1000x128xf32>
    %get3A_6 = vector.shape_cast %get3A_5 : vector<1x1000x128xf32> to vector<1000x128xf32>
    %get3A_7 = arith.constant 0 : index
    %get3A_8 = arith.constant 0 : index
    %get3A_9 = arith.constant 0 : index
    %get3A_10 = vector.load %arg2[%get3A_7, %get3A_8, %get3A_9] : memref<1x1000x128xf32, #tpu.memory_space<vmem>>, vector<1x1000x128xf32>
    %get3A_11 = vector.shape_cast %get3A_10 : vector<1x1000x128xf32> to vector<1000x128xf32>
    %add3A = arith.addf %get3A_6, %get3A_11 : vector<1000x128xf32>
    %get3A_12 = arith.constant 0 : index
    %get3A_13 = arith.constant 0 : index
    %get3A_14 = vector.load %arg3[%get3A_12, %get3A_13] : memref<1000x128xf32, #tpu.memory_space<vmem>>, vector<1000x128xf32>
    %add3A_15 = arith.addf %add3A, %get3A_14 : vector<1000x128xf32>
    %mul3A = vector.broadcast %get3A_1 : vector<1000x1xf32> to vector<1000x128xf32>
    %mul3A_16 = arith.mulf %mul3A, %add3A_15 : vector<1000x128xf32>
    %get3A_17 = arith.constant 0 : index
    %get3A_18 = arith.constant 0 : index
    %get3A_19 = vector.load %arg5[%get3A_17, %get3A_18] : memref<1x128xf32, #tpu.memory_space<vmem>>, vector<1x128xf32>
    %add3A_20 = vector.broadcast %get3A_19 : vector<1x128xf32> to vector<1000x128xf32>
    %add3A_21 = arith.addf %mul3A_16, %add3A_20 : vector<1000x128xf32>
    %max3A = arith.constant 0.000000e+00 : f32
    %max3A_22 = vector.broadcast %max3A : f32 to vector<1000x128xf32>
    %max3A_23 = arith.maximumf %add3A_21, %max3A_22 : vector<1000x128xf32>
    %get3A_24 = arith.constant 0 : index
    %get3A_25 = arith.constant 0 : index
    %get3A_26 = vector.load %arg6[%get3A_24, %get3A_25] : memref<128x128xf32, #tpu.memory_space<vmem>>, vector<128x128xf32>
    %dot_general3A = arith.constant dense<0.000000e+00> : vector<1000x128xf32>
    %dot_general3A_27 = tpu.matmul %max3A_23, %get3A_26, %dot_general3A {dimension_numbers = #tpu.dot_dimension_numbers<[1], [0], [0], [1], [0, 0, 1, 1], [], []>, transpose_lhs_hint = false} : vector<1000x128xf32>, vector<128x128xf32>, vector<1000x128xf32> -> vector<1000x128xf32>
    %mul3A_28 = vector.broadcast %get3A_1 : vector<1000x1xf32> to vector<1000x128xf32>
    %mul3A_29 = arith.mulf %dot_general3A_27, %mul3A_28 : vector<1000x128xf32>
    %swap3A = arith.constant 0 : index
    %swap3A_30 = arith.constant 0 : index
    %swap3A_31 = vector.load %arg7[%swap3A, %swap3A_30] : memref<1000x128xf32, #tpu.memory_space<vmem>>, vector<1000x128xf32>
    tpu.vector_store %arg7[%swap3A, %swap3A_30], %mul3A_29 {strides = array<i32>} : memref<1000x128xf32, #tpu.memory_space<vmem>>, vector<1000x128xf32>,
    return
  }
  func.func @transform_0(%arg0: i32) -> (i32, i32, i32) {
    %c0_i32 = arith.constant 0 : i32
    %c0_i32_0 = arith.constant 0 : i32
    %c0_i32_1 = arith.constant 0 : i32
    return %c0_i32, %arg0, %c0_i32_0 : i32, i32, i32
  }
  func.func @transform_1(%arg0: i32) -> (i32, i32, i32) {
    %c1_i32 = arith.constant 1 : i32
    %c0_i32 = arith.constant 0 : i32
    %c0_i32_0 = arith.constant 0 : i32
    return %c1_i32, %arg0, %c0_i32 : i32, i32, i32
  }
  func.func @transform_2(%arg0: i32) -> (i32, i32) {
    %c0_i32 = arith.constant 0 : i32
    %c0_i32_0 = arith.constant 0 : i32
    return %arg0, %c0_i32 : i32, i32
  }
  func.func @transform_3(%arg0: i32) -> (i32, i32) {
    %c0_i32 = arith.constant 0 : i32
    %c0_i32_0 = arith.constant 0 : i32
    return %arg0, %c0_i32 : i32, i32
  }
  func.func @transform_4(%arg0: i32) -> (i32, i32) {
    %c0_i32 = arith.constant 0 : i32
    %c0_i32_0 = arith.constant 0 : i32
    %c0_i32_1 = arith.constant 0 : i32
    return %c0_i32, %c0_i32_0 : i32, i32
  }
  func.func @transform_5(%arg0: i32) -> (i32, i32) {
    %c0_i32 = arith.constant 0 : i32
    %c0_i32_0 = arith.constant 0 : i32
    %c0_i32_1 = arith.constant 0 : i32
    return %c0_i32, %c0_i32_0 : i32, i32
  }
  func.func @transform_6(%arg0: i32) -> (i32, i32) {
    %c0_i32 = arith.constant 0 : i32
    %c0_i32_0 = arith.constant 0 : i32
    return %arg0, %c0_i32 : i32, i32
  }
}

module attributes {stable_mosaic.version = 14 : i64} {
  func.func @_tc_last(%arg0: i32, %arg1: memref<1x1000x128xf32, #tpu.memory_space<vmem>>, %arg2: memref<1x1000x128xf32, #tpu.memory_space<vmem>>, %arg3: memref<1000x128xf32, #tpu.memory_space<vmem>>, %arg4: memref<1000x1xf32, #tpu.memory_space<vmem>>, %arg5: memref<1x128xf32, #tpu.memory_space<vmem>>, %arg6: memref<128x64xf32, #tpu.memory_space<vmem>>, %arg7: memref<1x64xf32, #tpu.memory_space<vmem>>, %arg8: memref<1000x64xf32, #tpu.memory_space<vmem>>) attributes {dimension_semantics = [#tpu.dimension_semantics<arbitrary>], iteration_bounds = array<i64: 10>, scalar_prefetch = 0 : i64, scratch_operands = 0 : i64, tpu.core_type = #tpu.core_type<tc>, window_params = [{transform_indices = @transform_0, window_bounds = array<i64: 1, 1000, 128>}, {transform_indices = @transform_1, window_bounds = array<i64: 1, 1000, 128>}, {transform_indices = @transform_2, window_bounds = array<i64: 1000, 128>}, {transform_indices = @transform_3, window_bounds = array<i64: 1000, 1>}, {pipeline_mode = #tpu.pipeline_mode<synchronous>, transform_indices = @transform_4, window_bounds = array<i64: 1, 128>}, {pipeline_mode = #tpu.pipeline_mode<synchronous>, transform_indices = @transform_5, window_bounds = array<i64: 128, 64>}, {pipeline_mode = #tpu.pipeline_mode<synchronous>, transform_indices = @transform_6, window_bounds = array<i64: 1, 64>}, {transform_indices = @transform_7, window_bounds = array<i64: 1000, 64>}]} {
    %get3A = arith.constant 0 : index
    %get3A_0 = arith.constant 0 : index
    %get3A_1 = vector.load %arg4[%get3A, %get3A_0] : memref<1000x1xf32, #tpu.memory_space<vmem>>, vector<1000x1xf32>
    %get3A_2 = arith.constant 0 : index
    %get3A_3 = arith.constant 0 : index
    %get3A_4 = arith.constant 0 : index
    %get3A_5 = vector.load %arg1[%get3A_2, %get3A_3, %get3A_4] : memref<1x1000x128xf32, #tpu.memory_space<vmem>>, vector<1x1000x128xf32>
    %get3A_6 = vector.shape_cast %get3A_5 : vector<1x1000x128xf32> to vector<1000x128xf32>
    %get3A_7 = arith.constant 0 : index
    %get3A_8 = arith.constant 0 : index
    %get3A_9 = arith.constant 0 : index
    %get3A_10 = vector.load %arg2[%get3A_7, %get3A_8, %get3A_9] : memref<1x1000x128xf32, #tpu.memory_space<vmem>>, vector<1x1000x128xf32>
    %get3A_11 = vector.shape_cast %get3A_10 : vector<1x1000x128xf32> to vector<1000x128xf32>
    %add3A = arith.addf %get3A_6, %get3A_11 : vector<1000x128xf32>
    %get3A_12 = arith.constant 0 : index
    %get3A_13 = arith.constant 0 : index
    %get3A_14 = vector.load %arg3[%get3A_12, %get3A_13] : memref<1000x128xf32, #tpu.memory_space<vmem>>, vector<1000x128xf32>
    %add3A_15 = arith.addf %add3A, %get3A_14 : vector<1000x128xf32>
    %mul3A = vector.broadcast %get3A_1 : vector<1000x1xf32> to vector<1000x128xf32>
    %mul3A_16 = arith.mulf %mul3A, %add3A_15 : vector<1000x128xf32>
    %get3A_17 = arith.constant 0 : index
    %get3A_18 = arith.constant 0 : index
    %get3A_19 = vector.load %arg5[%get3A_17, %get3A_18] : memref<1x128xf32, #tpu.memory_space<vmem>>, vector<1x128xf32>
    %add3A_20 = vector.broadcast %get3A_19 : vector<1x128xf32> to vector<1000x128xf32>
    %add3A_21 = arith.addf %mul3A_16, %add3A_20 : vector<1000x128xf32>
    %get3A_22 = arith.constant 0 : index
    %get3A_23 = arith.constant 0 : index
    %get3A_24 = vector.load %arg6[%get3A_22, %get3A_23] : memref<128x64xf32, #tpu.memory_space<vmem>>, vector<128x64xf32>
    %dot_general3A = arith.constant dense<0.000000e+00> : vector<1000x64xf32>
    %dot_general3A_25 = tpu.matmul %add3A_21, %get3A_24, %dot_general3A {dimension_numbers = #tpu.dot_dimension_numbers<[1], [0], [0], [1], [0, 0, 1, 1], [], []>, transpose_lhs_hint = false} : vector<1000x128xf32>, vector<128x64xf32>, vector<1000x64xf32> -> vector<1000x64xf32>
    %get3A_26 = arith.constant 0 : index
    %get3A_27 = arith.constant 0 : index
    %get3A_28 = vector.load %arg7[%get3A_26, %get3A_27] : memref<1x64xf32, #tpu.memory_space<vmem>>, vector<1x64xf32>
    %add3A_29 = vector.broadcast %get3A_28 : vector<1x64xf32> to vector<1000x64xf32>
    %add3A_30 = arith.addf %dot_general3A_25, %add3A_29 : vector<1000x64xf32>
    %swap3A = arith.constant 0 : index
    %swap3A_31 = arith.constant 0 : index
    %swap3A_32 = vector.load %arg8[%swap3A, %swap3A_31] : memref<1000x64xf32, #tpu.memory_space<vmem>>, vector<1000x64xf32>
    tpu.vector_store %arg8[%swap3A, %swap3A_31], %add3A_30 {strides = array<i32>} : memref<1000x64xf32, #tpu.memory_space<vmem>>, vector<1000x64xf32>,
    return
  }
  func.func @transform_0(%arg0: i32) -> (i32, i32, i32) {
    %c0_i32 = arith.constant 0 : i32
    %c0_i32_0 = arith.constant 0 : i32
    %c0_i32_1 = arith.constant 0 : i32
    return %c0_i32, %arg0, %c0_i32_0 : i32, i32, i32
  }
  func.func @transform_1(%arg0: i32) -> (i32, i32, i32) {
    %c1_i32 = arith.constant 1 : i32
    %c0_i32 = arith.constant 0 : i32
    %c0_i32_0 = arith.constant 0 : i32
    return %c1_i32, %arg0, %c0_i32 : i32, i32, i32
  }
  func.func @transform_2(%arg0: i32) -> (i32, i32) {
    %c0_i32 = arith.constant 0 : i32
    %c0_i32_0 = arith.constant 0 : i32
    return %arg0, %c0_i32 : i32, i32
  }
  func.func @transform_3(%arg0: i32) -> (i32, i32) {
    %c0_i32 = arith.constant 0 : i32
    %c0_i32_0 = arith.constant 0 : i32
    return %arg0, %c0_i32 : i32, i32
  }
  func.func @transform_4(%arg0: i32) -> (i32, i32) {
    %c0_i32 = arith.constant 0 : i32
    %c0_i32_0 = arith.constant 0 : i32
    %c0_i32_1 = arith.constant 0 : i32
    return %c0_i32, %c0_i32_0 : i32, i32
  }
  func.func @transform_5(%arg0: i32) -> (i32, i32) {
    %c0_i32 = arith.constant 0 : i32
    %c0_i32_0 = arith.constant 0 : i32
    %c0_i32_1 = arith.constant 0 : i32
    return %c0_i32, %c0_i32_0 : i32, i32
  }
  func.func @transform_6(%arg0: i32) -> (i32, i32) {
    %c0_i32 = arith.constant 0 : i32
    %c0_i32_0 = arith.constant 0 : i32
    %c0_i32_1 = arith.constant 0 : i32
    return %c0_i32, %c0_i32_0 : i32, i32
  }
  func.func @transform_7(%arg0: i32) -> (i32, i32) {
    %c0_i32 = arith.constant 0 : i32
    %c0_i32_0 = arith.constant 0 : i32
    return %arg0, %c0_i32 : i32, i32
  }
}

</mosaic_0001>

<sc_bundles>
// kernel: kernel.12.cloned.1.call-start
scs
__scs_entry_jumppad:
0x0: {  	(pc) =	sbr.rel $0x88, $3  }
0x1: {  	(tag) =	ssettag $0x0;
	lr =	simm.s32 $0x1  }
0x2: {  	[smem:$0x3F99] =	sst lr;
	_ =	strace $0xD0000000  }
0x3: {  	_ = 	snop  }
0x4: {  	_ = 	snop  }
0x5: {  	_ = 	snop  }
0x6: {  	_ = 	snop  }
0x7: {  	_ = 	snop  }
__scs_overlays_trampoline_lowered:
0x8: {  	[smem:$0x3FA8] =	sst s0  }
0x9: {  	[smem:$0x3FA9] =	sst s1  }
0xa: {  	[smem:$0x3FAA] =	sst s2  }
0xb: {  	[smem:$0x3FAB] =	sst s3  }
0xc: {  	[smem:$0x3FAC] =	sst s4  }
0xd: {  	[smem:$0x3FAD] =	sst s5  }
0xe: {  	[smem:$0x3FAE] =	sst s6  }
0xf: {  	[smem:$0x3FAF] =	sst s7  }
0x10: {  	[smem:$0x3FB0] =	sst s8  }
0x11: {  	[smem:$0x3FB1] =	sst s9;
	s0 =	simm.s32 @!p0 $0x0  }
0x12: {  	s1 =	sld [smem:$0x3F97];
	s0 =	simm.s32 @p0 $0x1  }
0x13: {  	[smem:$0x3FB2] =	sst s0;
	s0 =	simm.s32 @!p1 $0x0  }
0x14: {  	s2 =	sld [smem:$0x3F96];
	s0 =	simm.s32 @p1 $0x1  }
0x15: {  	[smem:$0x3FB3] =	sst s0;
	s0 =	simm.s32 @!p2 $0x0  }
0x16: {  	s3 =	sld [smem:$0x3FDB];
	s0 =	simm.s32 @p2 $0x1  }
0x17: {  	s4 =	simm.s32 $0x1BF5;
	[smem:$0x3FB5] =	sst s0  }
0x18: {  	s0 =	sld [smem:$0x3F98];
	_ =	swait.ge [sflag:s4], $0x0  }
0x19: {  	s7 =	sld [smem:$0x3F99]  }
0x1a: {  	s8 =	sadd.s32 $0xFFFFE003, lr  }
0x1b: {  	s9 =	sadd.s32 $0xFFFFFEF7, lr;
	s5 =	simm.s32 $0xFFFFFFFF;
	p2 =	slt.u32 s8, $0xFFFFF086  }
0x1c: {  	p1 =	slt.u32 s9, $0xF7A;
	s5 =	simm.s32 @!p2 $0x0  }
0x1d: {  	s5 =	simm.s32 @p1 $0x1;
	p0 =	seq.s32 s7, s2  }
0x1e: {  	s7 =	smul.u32 @!p0 $0xF7A, s2;
	p2 =	seq.s32 @!p0 s5, $0x0  }
0x1f: {  	s9 =	smul.u32 $0xF7A, s1;
	s8 =	simm.s32 @!p0 $0x1BF5;
	p2 =	por !p2, p0  }
0x20: {  	[sflag:s8] =	ssyncset.s32 @!p0 $0xFFFFF086;
	s6 =	sadd.s32 @!p0 s3, s7;
	s7 =	simm.s32 @!p0 $0x108  }
0x21: {  	s3 =	sadd.s32 s3, s9;
	s6 =	sadd.s32 @!p0 $0x88, s6;
	s7 =	simm.s32 @p2 $0x1082  }
0x22: {  	[simem:s7], [sflag:s8] =	dma.local @!p0 [hbm:s6], $0xF7A  }
0x23: {  	s9 =	sor.u32 $0xD0000000, s2;
	s6 =	simm.s32 $0x108;
	_ =	swait.ge @!p0 [sflag:s8], $0x0  }
0x24: {  	s3 =	sadd.s32 $0x88, s3;
	s6 =	simm.s32 @!p1 $0x1082;
	[sflag:s4] =	ssyncset.s32 $0xFFFFF086  }
0x25: {  	[simem:s6], [sflag:s4] =	dma.local [hbm:s3], $0xF7A  }
0x26: {  	[smem:$0x3F99] =	sst s1;
	(tag) =	ssettag s2;
	_ =	strace s9  }
0x27: {  	s1 =	sld [smem:$0x3FA9]  }
0x28: {  	s2 =	sld [smem:$0x3FAA]  }
0x29: {  	s4 =	sld [smem:$0x3FAC]  }
0x2a: {  	p0 =	seq.s32 s5, $0x0;
	s5 =	sld [smem:$0x3FAD]  }
0x2b: {  	s6 =	sld [smem:$0x3FAE]  }
0x2c: {  	s7 =	sld [smem:$0x3FAF]  }
0x2d: {  	s3 =	simm.s32 $0x108;
	s8 =	sld [smem:$0x3FB0]  }
0x2e: {  	s3 =	simm.s32 @!p0 $0x1082;
	s9 =	sld [smem:$0x3FB1]  }
0x2f: {  	lr =	sadd.s32 s0, s3;
	s0 =	sld [smem:$0x3FA8]  }
0x30: {  	s3 =	sld [smem:$0x3FAB]  }
0x31: {  	[smem:$0x3FB4] =	sst s10  }
0x32: {  	s10 =	sld [smem:$0x3FB2];
	_ =	sdelay $0x3  }
0x33: {  	p0 =	seq.s32 s10, $0x1;
	s10 =	sld [smem:$0x3FB4];
	_ =	sdelay $0x3  }
0x34: {  	[smem:$0x3FB4] =	sst s10  }
0x35: {  	s10 =	sld [smem:$0x3FB3];
	_ =	sdelay $0x3  }
0x36: {  	p1 =	seq.s32 s10, $0x1;
	s10 =	sld [smem:$0x3FB4];
	_ =	sdelay $0x3  }
0x37: {  	[smem:$0x3FB4] =	sst s10  }
0x38: {  	s10 =	sld [smem:$0x3FB5]  }
0x39: {  	_ = 	snop;
	(pc) =	sbr.ind lr, $3  }
0x3a: {  	_ = 	snop  }
0x3b: {  	_ = 	snop  }
0x3c: {  	p2 =	seq.s32 s10, $0x1;
	s10 =	sld [smem:$0x3FB4]  }
0x3d: {  	_ =	shalt  }
0x3e: {  	_ =	shalt  }
0x3f: {  	_ =	shalt  }
0x40: {  	_ =	shalt  }
0x41: {  	_ =	shalt  }
0x42: {  	_ =	shalt  }
0x43: {  	_ =	shalt  }
0x44: {  	_ =	shalt  }
0x45: {  	_ =	shalt  }
0x46: {  	_ =	shalt  }
0x47: {  	_ =	shalt  }
0x48: {  	_ =	shalt  }
0x49: {  	_ =	shalt  }
0x4a: {  	_ =	shalt  }
0x4b: {  	_ =	shalt  }
0x4c: {  	_ =	shalt  }
0x4d: {  	_ =	shalt  }
0x4e: {  	_ =	shalt  }
0x4f: {  	_ =	shalt  }
0x50: {  	_ =	shalt  }
0x51: {  	_ =	shalt  }
0x52: {  	_ =	shalt  }
0x53: {  	_ =	shalt  }
0x54: {  	_ =	shalt  }
0x55: {  	_ =	shalt  }
0x56: {  	_ =	shalt  }
0x57: {  	_ =	shalt  }
0x58: {  	_ =	shalt  }
0x59: {  	_ =	shalt  }
0x5a: {  	_ =	shalt  }
0x5b: {  	_ =	shalt  }
0x5c: {  	_ =	shalt  }
0x5d: {  	_ =	shalt  }
0x5e: {  	_ =	shalt  }
0x5f: {  	_ =	shalt  }
0x60: {  	_ =	shalt  }
0x61: {  	_ =	shalt  }
0x62: {  	_ =	shalt  }
0x63: {  	_ =	shalt  }
0x64: {  	_ =	shalt  }
0x65: {  	_ =	shalt  }
0x66: {  	_ =	shalt  }
0x67: {  	_ =	shalt  }
0x68: {  	_ =	shalt  }
0x69: {  	_ =	shalt  }
0x6a: {  	_ =	shalt  }
0x6b: {  	_ =	shalt  }
0x6c: {  	_ =	shalt  }
0x6d: {  	_ =	shalt  }
0x6e: {  	_ =	shalt  }
0x6f: {  	_ =	shalt  }
0x70: {  	_ =	shalt  }
0x71: {  	_ =	shalt  }
0x72: {  	_ =	shalt  }
0x73: {  	_ =	shalt  }
0x74: {  	_ =	shalt  }
0x75: {  	_ =	shalt  }
0x76: {  	_ =	shalt  }
0x77: {  	_ =	shalt  }
0x78: {  	_ =	shalt  }
0x79: {  	_ =	shalt  }
0x7a: {  	_ =	shalt  }
0x7b: {  	_ =	shalt  }
0x7c: {  	_ =	shalt  }
0x7d: {  	_ =	shalt  }
0x7e: {  	_ =	shalt  }
0x7f: {  	_ =	shalt  }
0x80: {  	_ =	shalt  }
0x81: {  	_ =	shalt  }
0x82: {  	_ =	shalt  }
0x83: {  	_ =	shalt  }
0x84: {  	_ =	shalt  }
0x85: {  	_ =	shalt  }
0x86: {  	_ =	shalt  }
0x87: {  	_ =	shalt  }
.Lfunc_end0:
.L_simem_size_0:
called_computation.1_lowered:
.L_overlay_start_0:
0x88: {  	s2 =	sld [smem:$0x3FD9]  }
0x89: {  	s3 =	sld [smem:$0x3FFE];
	_ =	sdelay $0x1  }
0x8a: {  	s1 =	srdreg.scid  }
0x8b: {  	s0 =	sand.u32 $0x1, s1  }
0x8c: {  	s17 =	sshll.u32 s0, $0xA;
	s2 =	sadd.s32 s3, s2  }
0x8d: {  	s2 =	sadd.s32 s2, s17  }
0x8e: {  	[smem:$0x3FC0] =	sst s2  }
0x8f: {  	_ = 	snop  }
0x90: {  	s2 =	sld [smem:$0x3FD0];
	(tm) =	ssettm $0x1  }
0x91: {  	s18 =	sld [smem:$0x3FFB];
	_ =	sdelay $0x3  }
0x92: {  	_ =	strace s18  }
0x93: {  	s3 =	sld [smem:$0x3FFC];
	_ =	sdelay $0x3  }
0x94: {  	_ =	strace s3  }
0x95: {  	s3 =	sld [smem:$0x3FFD];
	_ =	sdelay $0x3  }
0x96: {  	_ =	strace s3  }
0x97: {  	_ =	strace $0x8FFFFFFF  }
0x98: {  	s19 =	sld [smem:$0x3FDB];
	_ =	sdelay $0x1  }
0x99: {  	s4 =	simm.s32 $_scs_section_size  }
0x9a: {  	s5 =	simm.s32 $_size__tile_overlayer_lowered;
	s6 =	simm.s32 $_tile_overlayer_lowered  }
0x9b: {  	s22 =	simm.s32 $0x1BFF;
	s21 =	sshll.u32 s6, $0x1;
	s3 =	sadd.s32 s4, s19  }
0x9c: {  	s7 =	simm.s32 $0x0;
	s20 =	sshll.u32 s5, $0x1;
	s5 =	sadd.s32 s21, s3  }
0x9d: {  	[timem:s7], [sflag:s22] =	dma.local [hbm:s5], s20  }
0x9e: {  	_ =	swait.ge [sflag:s22], s20  }
0x9f: {  	s4 =	ssub.s32 $0x0, s20;
	[sflag:s22] =	ssyncset.done $0x0  }
0xa0: {  	[sflag:s22] =	ssyncadd.s32 s4;
	_ =	sdelay $0x1  }
0xa1: {  	s23 =	simm.s32 $0x1B8B  }
0xa2: {  	_ =	swait.ge [sflag:s23], $0x1  }
0xa3: {  	[sflag:s23] =	ssyncset.done $0x0  }
0xa4: {  	s25 =	simm.s32 $0x1B8E;
	s24 =	sld [smem:$0x3FFE];
	[sflag:s23] =	ssyncadd.s32 $0xFFFFFFFF  }
0xa5: {  	s26 =	simm.s32 $execute0_lowered;
	[smem:$0x3FD2] =	sst s25  }
0xa6: {  	s5 =	sshll.u32 s26, $0x1;
	_ =	strace $0x80000049;
	[dreg:$0x1] =	wrdreg $0xFFFFFFFF  }
0xa7: {  	s28 =	simm.s32 $_size_execute0_lowered;
	s3 =	sadd.s32 s3, s5;
	[dreg:$0x0] =	wrdreg $0x0  }
0xa8: {  	s5 =	sshll.u32 s28, $0x1;
	[dreg:$0x2] =	wrdreg s3  }
0xa9: {  	[dreg:$0x3] =	wrdreg s5  }
0xaa: {  	[dreg:$0x4] =	wrdreg $0xC0  }
0xab: {  	_ =	task [dreg:s7], $0x5FFFF  }
0xac: {  	[dreg:$0x1] =	wrdreg $0xFFFFFFFF  }
0xad: {  	[dreg:$0x0] =	wrdreg $0x60  }
0xae: {  	[dreg:$0x2] =	wrdreg s24  }
0xaf: {  	[dreg:$0x3] =	wrdreg s2  }
0xb0: {  	[dreg:$0x4] =	wrdreg $0xA9000  }
0xb1: {  	[dreg:$0x5] =	wrdreg $0x9  }
0xb2: {  	_ =	task.clear_ibuf [dreg:s7], $0x6FFFF;
	_ =	strace $0x90000049  }
0xb3: {  	s29 =	simm.s32 $0x9;
	_ =	strace $0x8000004B  }
0xb4: {  	_ =	swait.ge [sflag:s29], $0x1  }
0xb5: {  	[sflag:s29] =	ssyncadd.s32 $0xFFFFFFFF  }
0xb6: {  	_ =	strace $0x9000004B  }
0xb7: {  	_ =	sfence  }
0xb8: {  	s30 =	sld [smem:$0x0];
	_ =	sdelay $0x2  }
0xb9: {  	s31 =	sshll.u32 s1, $0xD;
	s1 =	sshrl.u32 s1, $0x2  }
0xba: {  	s3 =	sand.u32 $0x4000, s31;
	s1 =	sadd.s32 s1, s30  }
0xbb: {  	s0 =	sor.u32 s3, s0;
	s1 =	sshll.u32 s1, $0x11  }
0xbc: {  	s0 =	sor.u32 s1, s0  }
0xbd: {  	s0 =	sadd.s32 $0x8F2B, s0  }
0xbe: {  	[sflag:s0] =	ssyncadd.remote.s32 $0x1  }
0xbf: {  	_ =	sfence.sel $0xFFFF  }
0xc0: {  	[dreg:$0x0] =	wrdreg $0xFFFFFFFF;
	(pc) =	sbr.abs _section_cstart, $3  }
0xc1: {  	[dreg:$0x1] =	wrdreg $0xFFFFFFFF  }
0xc2: {  	_ =	task.clear_ibuf [dreg:s7], $0x2FFFF;
	_ =	strace $0x9FFFFFFF  }
0xc3: {  	(tm) =	ssettm $0x7FFFFFFF  }
tec
execute0_lowered:
.L_overlay_start_1:
0x0: {  	(tag) =	ssettag $0x1  }
0x1: {  	s0 =	rddreg [dreg:$0x0]  }
0x2: {  	s2 =	rddreg [dreg:$0x1];
	s1 =	srdreg.scid  }
0x3: {  	s3 =	rddreg [dreg:$0x2];
	s9 =	stileid.u32;
	s4 =	simm.s32 $0x0  }
0x4: {  	s17 =	simm.s32 $0x2900;
	s18 =	simm.s32 $0x5;
	s19 =	simm.s32 $0x2  }
0x5: {  	s20 =	simm.s32 $0x2800;
	s21 =	simm.s32 $0x80;
	s6 =	smul.u32 $0x2800, s9  }
0x6: {  	s22 =	simm.s32 $0x6900;
	s23 =	simm.s32 $0x2880;
	s8 =	smul.u32 $0x14000, s9  }
0x7: {  	s24 =	simm.s32 $0x1;
	s1 =	sand.u32 $0x1, s1;
	s9 =	smul.u32 $0x50000, s9  }
0x8: {  	s25 =	simm.s32 $0x3;
	s26 =	simm.s32 $0x4;
	s5 =	smul.u32 $0x28000, s1  }
0x9: {  	[smem:$0x7FF] =	sst s4;
	s7 =	smul.u32 $0x140000, s1;
	s1 =	ssub.s32 $0x2, s1  }
0xa: {  	s29 =	simm.s32 $0x0;
	_ =	strace $0x8000004A;
	s28 =	sshrl.u32 s1, $0x1  }
0xb: {  	s9 =	sshrl.u32 s9, $0x2;
	s5 =	sadd.s32 s6, s5;
	s6 =	sadd.s32 $0xCA00, s0  }
0xc: {  	s7 =	sadd.s32 s8, s7;
	s1 =	ssub.s32 s1, s28;
	s13 =	sshrl.u32 s5, $0x3  }
0xd: {  	s7 =	sshrl.u32 s7, $0x3;
	s15 =	smax.u32 s1, $0x1;
	s10 =	sadd.s32 s13, s0  }
0xe: {  	s0 =	sadd.s32 s7, s0;
	s7 =	sadd.s32 s9, s3;
	s13 =	sadd.s32 s2, s13  }
0xf: {  	s30 =	sadd.s32 $0x2A00, s10;
	s31 =	sadd.s32 $0x4000, s7;
	s10 =	sadd.s32 $0x8000, s7  }
0x10: {  	s11 =	sadd.s32 $0xC000, s7;
	s12 =	sadd.s32 $0x10000, s7;
	[dreg:$0x4] =	wrdreg s30  }
0x11: {  	v0 =	vimm.f32 $0.0e+00;
	s14 =	sadd.s32 $0x33C00, s0;
	s16 =	sadd.s32 $0x4F0, s13;
	[dreg:$0x5] =	wrdreg s31  }
.LBB2_1:
0x12: {  	s0 =	rddreg [dreg:$0x4]  }
0x13: {  	[tilespmem:s4], [sflag:$0x2] =	stream.linear.gather [hbm4b:s0+s4], $0x2800, $0x38;
	[tilespmem:$0x1E900] =	vst v63  }
0x14: {  	s1 =	simm.s32 $0x200;
	s0 =	simm.s32 $0x0  }
.LBB2_2:
0x15: {  	p0 =	sne.s32 s1, $0xFE00;
	[tilespmem:s0+$0x2970] =	vst v0  }
0x16: {  	[tilespmem:s0+$0x2900] =	vst v0  }
0x17: {  	[tilespmem:s0+$0x2910] =	vst v0  }
.Ltmp0:
0x18: {  	[tilespmem:s0+$0x2920] =	vst v0;
	(pc) =	sbr.rel @p0 .LBB2_2-.Ltmp0, $4  }
0x19: {  	[tilespmem:s0+$0x2930] =	vst v0  }
0x1a: {  	[tilespmem:s0+$0x2940] =	vst v0  }
0x1b: {  	[tilespmem:s0+$0x2950] =	vst v0  }
0x1c: {  	[tilespmem:s0+$0x2960] =	vst v0;
	s0 =	sshra.s32 s1, $0x2;
	s1 =	sadd.s32 $0x200, s1  }
0x1d: {  	[tilespmem:s0+$0x2970] =	vst v0  }
0x1e: {  	[tilespmem:s0+$0x2900] =	vst v0  }
0x1f: {  	[tilespmem:s0+$0x2910] =	vst v0  }
0x20: {  	[tilespmem:s0+$0x2920] =	vst v0  }
0x21: {  	[tilespmem:s0+$0x2930] =	vst v0  }
0x22: {  	[tilespmem:s0+$0x2940] =	vst v0  }
0x23: {  	[tilespmem:s0+$0x2950] =	vst v0  }
0x24: {  	[tilespmem:s0+$0x2960] =	vst v0  }
0x25: {  	[spmem:s7] =	stream.linear.scatter [tilespmem:s17], [sflag:$0x5], $0x4000, $0x38;
	[tilespmem:$0x1E900] =	vst v63  }
0x26: {  	_ =	swait.ge [sflag:s18], $0x4000  }
0x27: {  	[sflag:s18] =	ssyncset.done $0x0  }
0x28: {  	s8 =	rddreg [dreg:$0x5];
	[sflag:s18] =	ssyncadd.s32 $0xFFFFC000  }
0x29: {  	[spmem:s8] =	stream.linear.scatter [tilespmem:s17], [sflag:$0x5], $0x4000, $0x38;
	[tilespmem:$0x1E900] =	vst v63  }
0x2a: {  	_ =	swait.ge [sflag:s18], $0x4000  }
0x2b: {  	[sflag:s18] =	ssyncset.done $0x0  }
0x2c: {  	[sflag:s18] =	ssyncadd.s32 $0xFFFFC000  }
0x2d: {  	[spmem:s10] =	stream.linear.scatter [tilespmem:s17], [sflag:$0x5], $0x4000, $0x38;
	[tilespmem:$0x1E900] =	vst v63  }
0x2e: {  	_ =	swait.ge [sflag:s18], $0x4000  }
0x2f: {  	[sflag:s18] =	ssyncset.done $0x0  }
0x30: {  	[sflag:s18] =	ssyncadd.s32 $0xFFFFC000  }
0x31: {  	[spmem:s11] =	stream.linear.scatter [tilespmem:s17], [sflag:$0x5], $0x4000, $0x38;
	[tilespmem:$0x1E900] =	vst v63  }
0x32: {  	_ =	swait.ge [sflag:s18], $0x4000  }
0x33: {  	[sflag:s18] =	ssyncset.done $0x0  }
0x34: {  	[sflag:s18] =	ssyncadd.s32 $0xFFFFC000  }
0x35: {  	[spmem:s12] =	stream.linear.scatter [tilespmem:s17], [sflag:$0x5], $0x4000, $0x38;
	[tilespmem:$0x1E900] =	vst v63  }
0x36: {  	_ =	swait.ge [sflag:s18], $0x4000  }
0x37: {  	[sflag:s18] =	ssyncset.done $0x0  }
0x38: {  	[sflag:s18] =	ssyncadd.s32 $0xFFFFC000  }
0x39: {  	s9 =	simm.s32 $0x80;
	s1 =	simm.s32 $0x0;
	_ =	swait.ge [sflag:s19], $0x2800  }
0x3a: {  	s1 =	sand.u32 $0x3C00, s1;
	s8 =	simm.s32 $0x80;
	[sflag:s19] =	ssyncset.done $0x0  }
0x3b: {  	s1 =	sadd.s32 s5, s1;
	s8 =	sand.u32 $0x380, s8;
	[sflag:s19] =	ssyncadd.s32 $0xFFFFD800  }
0x3c: {  	[tilespmem:s17], [sflag:$0x1] =	stream.indirect.gather [hbm4b:s6+s9], $0x80, s4, s9, $0xb8;
	[tilespmem:$0x1E900] =	vst v63  }
0x3d: {  	s1 =	sor.u32 s1, s8  }
0x3e: {  	[tilespmem:s20], [sflag:$0x3] =	stream.linear.gather [hbm4b:s13+s4], $0x80, $0x38;
	[tilespmem:$0x1E900] =	vst v63  }
0x3f: {  	s1 =	sshrl.u32 s1, $0x3;
	[bflag:$0x0] =	sbarrier.arrive $0xFFFF  }
0x40: {  	[tilespmem:s22], [sflag:$0x2] =	stream.indirect.gather [hbm4b:s6+s21], $0x80, s9, s21, $0xb8;
	[tilespmem:$0x1E900] =	vst v63  }
0x41: {  	s8 =	sadd.s32 s2, s1  }
0x42: {  	[tilespmem:s23], [sflag:$0x4] =	stream.linear.gather [hbm4b:s8+s4], $0x80, $0x38;
	[tilespmem:$0x1E900] =	vst v63  }
0x43: {  	_ =	swait.ge [sflag:s24], $0x4000  }
0x44: {  	[sflag:s24] =	ssyncset.done $0x0  }
0x45: {  	[sflag:s24] =	ssyncadd.s32 $0xFFFFC000  }
0x46: {  	_ =	swait.ge [sflag:s25], $0x80  }
0x47: {  	s9 =	simm.s32 $0x100;
	[sflag:s25] =	ssyncset.done $0x0  }
0x48: {  	s8 =	sand.u32 $0x7C00, s9;
	[sflag:s25] =	ssyncadd.s32 $0xFFFFFF80  }
0x49: {  	[spmem:s3] =	stream.indirect.scatter.add.f32 [tilespmem:s17], [sflag:$0x5], $0x80, s20, s21, $0xb8;
	[tilespmem:$0x1E900] =	vst v63  }
0x4a: {  	s0 =	sand.u32 $0x300, s9;
	s1 =	sadd.s32 s5, s8;
	_ =	swait.ge [sflag:s18], $0x4000  }
0x4b: {  	s0 =	sor.u32 s0, s1;
	[sflag:s18] =	ssyncset.done $0x0  }
0x4c: {  	s9 =	simm.s32 $0x100;
	s0 =	sshrl.u32 s0, $0x3;
	[sflag:s18] =	ssyncadd.s32 $0xFFFFC000  }
0x4d: {  	[tilespmem:s17], [sflag:$0x1] =	stream.indirect.gather [hbm4b:s6+s21], $0x80, s9, s21, $0xb8;
	[tilespmem:$0x1E900] =	vst v63  }
0x4e: {  	s0 =	sadd.s32 s2, s0  }
0x4f: {  	[tilespmem:s20], [sflag:$0x3] =	stream.linear.gather [hbm4b:s0+s4], $0x80, $0x38;
	[tilespmem:$0x1E900] =	vst v63  }
0x50: {  	_ =	swait.ge [sflag:s19], $0x4000  }
0x51: {  	s31 =	simm.s32 $0x200;
	s30 =	simm.s32 $0x180;
	[sflag:s19] =	ssyncset.done $0x0  }
0x52: {  	s8 =	simm.s32 $0x180;
	s9 =	simm.s32 $0x100;
	[sflag:s19] =	ssyncadd.s32 $0xFFFFC000  }
0x53: {  	s28 =	sand.u32 $0x3C00, s9;
	s0 =	simm.s32 $0x300;
	_ =	swait.ge [sflag:s26], $0x80  }
.LBB2_4:
0x54: {  	s28 =	sadd.s32 s5, s28  }
0x55: {  	s8 =	sand.u32 $0x380, s8;
	[sflag:s26] =	ssyncset.done $0x0;
	s9 =	smov.u32 s0  }
0x56: {  	s1 =	sadd.s32 $0x100, s0;
	s8 =	sor.u32 s28, s8;
	[sflag:s26] =	ssyncadd.s32 $0xFFFFFF80  }
0x57: {  	[spmem:s3] =	stream.indirect.scatter.add.f32 [tilespmem:s22], [sflag:$0x5], $0x80, s23, s21, $0xb8;
	[tilespmem:$0x1E900] =	vst v63  }
0x58: {  	p0 =	sne.s32 s0, $0x2700;
	s0 =	sshrl.u32 s8, $0x3;
	_ =	swait.ge [sflag:s18], $0x4000  }
0x59: {  	[sflag:s18] =	ssyncset.done $0x0  }
0x5a: {  	[sflag:s18] =	ssyncadd.s32 $0xFFFFC000  }
0x5b: {  	[tilespmem:s22], [sflag:$0x2] =	stream.indirect.gather [hbm4b:s6+s21], $0x80, s30, s21, $0xb8;
	[tilespmem:$0x1E900] =	vst v63  }
0x5c: {  	s0 =	sadd.s32 s2, s0  }
0x5d: {  	[tilespmem:s23], [sflag:$0x4] =	stream.linear.gather [hbm4b:s0+s4], $0x80, $0x38;
	[tilespmem:$0x1E900] =	vst v63  }
0x5e: {  	_ =	swait.ge [sflag:s24], $0x4000  }
0x5f: {  	[sflag:s24] =	ssyncset.done $0x0  }
0x60: {  	[sflag:s24] =	ssyncadd.s32 $0xFFFFC000  }
0x61: {  	_ =	swait.ge [sflag:s25], $0x80  }
0x62: {  	[sflag:s25] =	ssyncset.done $0x0  }
0x63: {  	[sflag:s25] =	ssyncadd.s32 $0xFFFFFF80  }
0x64: {  	[spmem:s3] =	stream.indirect.scatter.add.f32 [tilespmem:s17], [sflag:$0x5], $0x80, s20, s21, $0xb8;
	[tilespmem:$0x1E900] =	vst v63  }
0x65: {  	s0 =	sand.u32 $0x7C00, s31;
	_ =	swait.ge [sflag:s18], $0x4000  }
0x66: {  	s8 =	sand.u32 $0x300, s31;
	s0 =	sadd.s32 s5, s0;
	[sflag:s18] =	ssyncset.done $0x0  }
0x67: {  	s28 =	sadd.s32 $0x80, s30;
	s0 =	sor.u32 s8, s0;
	[sflag:s18] =	ssyncadd.s32 $0xFFFFC000  }
0x68: {  	[tilespmem:s17], [sflag:$0x1] =	stream.indirect.gather [hbm4b:s6+s21], $0x80, s28, s21, $0xb8;
	[tilespmem:$0x1E900] =	vst v63  }
0x69: {  	s31 =	smov.u32 s9;
	s0 =	sshrl.u32 s0, $0x3  }
0x6a: {  	s0 =	sadd.s32 s2, s0  }
0x6b: {  	[tilespmem:s20], [sflag:$0x3] =	stream.linear.gather [hbm4b:s0+s4], $0x80, $0x38;
	[tilespmem:$0x1E900] =	vst v63  }
.Ltmp1:
0x6c: {  	_ = 	snop;
	(pc) =	sbr.rel @p0 .LBB2_4-.Ltmp1, $4  }
0x6d: {  	_ =	swait.ge [sflag:s19], $0x4000  }
0x6e: {  	s30 =	sadd.s32 $0x100, s30;
	[sflag:s19] =	ssyncset.done $0x0  }
0x6f: {  	s8 =	sadd.s32 $0xFFFFFF80, s31;
	s0 =	sadd.s32 $0xFFFFFF00, s31;
	[sflag:s19] =	ssyncadd.s32 $0xFFFFC000  }
0x70: {  	s28 =	sand.u32 $0x3C00, s0;
	s0 =	smov.u32 s1;
	_ =	swait.ge [sflag:s26], $0x80  }
0x71: {  	[sflag:s26] =	ssyncset.done $0x0  }
0x72: {  	[sflag:s26] =	ssyncadd.s32 $0xFFFFFF80  }
0x73: {  	[spmem:s3] =	stream.indirect.scatter.add.f32 [tilespmem:s22], [sflag:$0x5], $0x80, s23, s21, $0xb8;
	[tilespmem:$0x1E900] =	vst v63  }
0x74: {  	s0 =	sadd.s32 s5, s28;
	s1 =	sand.u32 $0x380, s8;
	_ =	swait.ge [sflag:s18], $0x4000  }
0x75: {  	s0 =	sor.u32 s0, s1;
	[sflag:s18] =	ssyncset.done $0x0  }
0x76: {  	s0 =	sshrl.u32 s0, $0x3;
	[sflag:s18] =	ssyncadd.s32 $0xFFFFC000  }
0x77: {  	[tilespmem:s22], [sflag:$0x2] =	stream.indirect.gather [hbm4b:s6+s21], $0x80, s30, s21, $0xb8;
	[tilespmem:$0x1E900] =	vst v63  }
0x78: {  	s0 =	sadd.s32 s2, s0  }
0x79: {  	[tilespmem:s23], [sflag:$0x4] =	stream.linear.gather [hbm4b:s0+s4], $0x80, $0x38;
	[tilespmem:$0x1E900] =	vst v63  }
0x7a: {  	_ =	swait.ge [sflag:s24], $0x4000  }
0x7b: {  	[sflag:s24] =	ssyncset.done $0x0  }
0x7c: {  	[sflag:s24] =	ssyncadd.s32 $0xFFFFC000  }
0x7d: {  	_ =	swait.ge [sflag:s25], $0x80  }
0x7e: {  	[sflag:s25] =	ssyncset.done $0x0  }
0x7f: {  	s1 =	sand.u32 $0x7C00, s31;
	[sflag:s25] =	ssyncadd.s32 $0xFFFFFF80  }
0x80: {  	[spmem:s3] =	stream.indirect.scatter.add.f32 [tilespmem:s17], [sflag:$0x5], $0x80, s20, s21, $0xb8;
	[tilespmem:$0x1E900] =	vst v63  }
0x81: {  	s8 =	sand.u32 $0x300, s31;
	s0 =	sadd.s32 s5, s1;
	_ =	swait.ge [sflag:s18], $0x4000  }
0x82: {  	s0 =	sor.u32 s8, s0;
	[sflag:s18] =	ssyncset.done $0x0  }
0x83: {  	s9 =	sadd.s32 $0x80, s30;
	s0 =	sshrl.u32 s0, $0x3;
	[sflag:s18] =	ssyncadd.s32 $0xFFFFC000  }
0x84: {  	[tilespmem:s17], [sflag:$0x1] =	stream.indirect.gather [hbm4b:s6+s21], $0x80, s9, s21, $0xb8;
	[tilespmem:$0x1E900] =	vst v63  }
0x85: {  	s0 =	sadd.s32 s2, s0  }
0x86: {  	[tilespmem:s20], [sflag:$0x3] =	stream.linear.gather [hbm4b:s0+s4], $0x80, $0x38;
	[tilespmem:$0x1E900] =	vst v63  }
0x87: {  	_ =	swait.ge [sflag:s19], $0x4000  }
0x88: {  	[sflag:s19] =	ssyncset.done $0x0  }
0x89: {  	[sflag:s19] =	ssyncadd.s32 $0xFFFFC000  }
0x8a: {  	_ =	swait.ge [sflag:s26], $0x80  }
0x8b: {  	[sflag:s26] =	ssyncset.done $0x0  }
0x8c: {  	[sflag:s26] =	ssyncadd.s32 $0xFFFFFF80  }
0x8d: {  	[spmem:s3] =	stream.indirect.scatter.add.f32 [tilespmem:s22], [sflag:$0x5], $0x80, s23, s21, $0xb8;
	[tilespmem:$0x1E900] =	vst v63  }
0x8e: {  	_ =	swait.ge [sflag:s18], $0x4000  }
0x8f: {  	[sflag:s18] =	ssyncset.done $0x0  }
0x90: {  	s28 =	simm.s32 $0x2780;
	[sflag:s18] =	ssyncadd.s32 $0xFFFFC000  }
0x91: {  	[tilespmem:s22], [sflag:$0x2] =	stream.indirect.gather [hbm4b:s6+s21], $0x80, s28, s21, $0xb8;
	[tilespmem:$0x1E900] =	vst v63  }
0x92: {  	_ = 	snop  }
0x93: {  	[tilespmem:s23], [sflag:$0x4] =	stream.linear.gather [hbm4b:s16+s4], $0x80, $0x38;
	[tilespmem:$0x1E900] =	vst v63  }
0x94: {  	_ =	swait.ge [sflag:s24], $0x4000  }
0x95: {  	[sflag:s24] =	ssyncset.done $0x0  }
0x96: {  	[sflag:s24] =	ssyncadd.s32 $0xFFFFC000  }
0x97: {  	_ =	swait.ge [sflag:s25], $0x80  }
0x98: {  	[sflag:s25] =	ssyncset.done $0x0  }
0x99: {  	[sflag:s25] =	ssyncadd.s32 $0xFFFFFF80  }
0x9a: {  	[spmem:s3] =	stream.indirect.scatter.add.f32 [tilespmem:s17], [sflag:$0x5], $0x80, s20, s21, $0xb8;
	[tilespmem:$0x1E900] =	vst v63  }
0x9b: {  	_ =	swait.ge [sflag:s18], $0x4000  }
0x9c: {  	[sflag:s18] =	ssyncset.done $0x0  }
0x9d: {  	[sflag:s18] =	ssyncadd.s32 $0xFFFFC000  }
0x9e: {  	_ =	swait.ge [sflag:s19], $0x4000  }
0x9f: {  	[sflag:s19] =	ssyncset.done $0x0  }
0xa0: {  	[sflag:s19] =	ssyncadd.s32 $0xFFFFC000  }
0xa1: {  	_ =	swait.ge [sflag:s26], $0x80  }
0xa2: {  	[sflag:s26] =	ssyncset.done $0x0  }
0xa3: {  	[sflag:s26] =	ssyncadd.s32 $0xFFFFFF80  }
0xa4: {  	[spmem:s3] =	stream.indirect.scatter.add.f32 [tilespmem:s22], [sflag:$0x5], $0x80, s23, s21, $0xb8;
	[tilespmem:$0x1E900] =	vst v63  }
0xa5: {  	s29 =	sadd.s32 $0x1, s29;
	_ =	swait.ge [sflag:s18], $0x4000  }
0xa6: {  	s31 =	sshrl.u32 s7, $0x3;
	s30 =	stileid.u32;
	[sflag:s18] =	ssyncset.done $0x0  }
0xa7: {  	p0 =	sne.s32 s29, s15;
	s0 =	sshll.u32 s30, $0x6;
	[sflag:s18] =	ssyncadd.s32 $0xFFFFC000  }
.Ltmp2:
0xa8: {  	s0 =	sor.u32 $0x1C05, s0;
	[bflag:$0x0] =	sbarrier.arrive $0xFFFF;
	(pc) =	sbr.rel @p0 .LBB2_1-.Ltmp2, $4  }
0xa9: {  	[hbm:s14], [sflag:s0] =	dma.local [spmem:s31], $0x2800  }
0xaa: {  	_ =	swait.ge [sflag:s18], $0x2800  }
0xab: {  	[sflag:s18] =	ssyncset.done $0x0  }
0xac: {  	[sflag:s18] =	ssyncadd.s32 $0xFFFFD800  }
0xad: {  	_ =	sfence.sel $0x180000  }
0xae: {  	[bflag:$0x0] =	sbarrier.arrive $0xFFFF  }
0xaf: {  	_ =	strace $0x9000004A  }
0xb0: {  	s0 =	stileid.u32;
	[bflag:$0x2] =	sbarrier.arrive $0xFFFF  }
0xb1: {  	p0 =	sne.s32 s0, $0x0;
	s0 =	rddreg [dreg:$0x3]  }
0xb2: {  	s0 =	sadd.s32 @!p0 $0x100000, s0  }
0xb3: {  	[sflag:s0] =	ssyncadd.tile.s32 @!p0 $0x1;
	_ =	shalt  }
.Lfunc_end2:
_tile_overlayer_lowered:
.L_overlay_start_2:
0xb4: {  	(tag) =	ssettag $0x2  }
0xb5: {  	s0 =	rddreg [dreg:$0x0];
	s2 =	stileid.u32  }
0xb6: {  	s1 =	rddreg [dreg:$0x1];
	p0 =	sne.s32 s2, $0x0  }
0xb7: {  	s3 =	rddreg [dreg:$0x2];
	[bflag:$0x3] =	sbarrier.arrive $0xFFFF;
	s2 =	simm.s32 @!p0 $0x1C05  }
0xb8: {  	[timem:s3], [sflag:s2] =	dma.local @!p0 [hbm:s0], s1  }
0xb9: {  	s0 =	simm.s32 @!p0 $0x5  }
0xba: {  	_ =	swait.ge @!p0 [sflag:s0], s1  }
0xbb: {  	s1 =	ssub.s32 @!p0 $0x0, s1;
	[sflag:s0] =	ssyncset.done @!p0 $0x0  }
0xbc: {  	[sflag:s0] =	ssyncadd.s32 @!p0 s1  }
0xbd: {  	[bflag:$0x3] =	sbarrier.arrive $0xFFFF  }
0xbe: {  	_ =	shalt  }

// kernel: kernel.15.cloned.1.call-start
scs
__scs_entry_jumppad:
0x0: {  	(pc) =	sbr.rel $0x88, $3  }
0x1: {  	(tag) =	ssettag $0x0;
	lr =	simm.s32 $0x1  }
0x2: {  	[smem:$0x3F99] =	sst lr;
	_ =	strace $0xD0000000  }
0x3: {  	_ = 	snop  }
0x4: {  	_ = 	snop  }
0x5: {  	_ = 	snop  }
0x6: {  	_ = 	snop  }
0x7: {  	_ = 	snop  }
__scs_overlays_trampoline_lowered:
0x8: {  	[smem:$0x3FA8] =	sst s0  }
0x9: {  	[smem:$0x3FA9] =	sst s1  }
0xa: {  	[smem:$0x3FAA] =	sst s2  }
0xb: {  	[smem:$0x3FAB] =	sst s3  }
0xc: {  	[smem:$0x3FAC] =	sst s4  }
0xd: {  	[smem:$0x3FAD] =	sst s5  }
0xe: {  	[smem:$0x3FAE] =	sst s6  }
0xf: {  	[smem:$0x3FAF] =	sst s7  }
0x10: {  	[smem:$0x3FB0] =	sst s8  }
0x11: {  	[smem:$0x3FB1] =	sst s9;
	s0 =	simm.s32 @!p0 $0x0  }
0x12: {  	s1 =	sld [smem:$0x3F97];
	s0 =	simm.s32 @p0 $0x1  }
0x13: {  	[smem:$0x3FB2] =	sst s0;
	s0 =	simm.s32 @!p1 $0x0  }
0x14: {  	s2 =	sld [smem:$0x3F96];
	s0 =	simm.s32 @p1 $0x1  }
0x15: {  	[smem:$0x3FB3] =	sst s0;
	s0 =	simm.s32 @!p2 $0x0  }
0x16: {  	s3 =	sld [smem:$0x3FDB];
	s0 =	simm.s32 @p2 $0x1  }
0x17: {  	s4 =	simm.s32 $0x1BF5;
	[smem:$0x3FB5] =	sst s0  }
0x18: {  	s0 =	sld [smem:$0x3F98];
	_ =	swait.ge [sflag:s4], $0x0  }
0x19: {  	s7 =	sld [smem:$0x3F99]  }
0x1a: {  	s8 =	sadd.s32 $0xFFFFE003, lr  }
0x1b: {  	s9 =	sadd.s32 $0xFFFFFEF7, lr;
	s5 =	simm.s32 $0xFFFFFFFF;
	p2 =	slt.u32 s8, $0xFFFFF086  }
0x1c: {  	p1 =	slt.u32 s9, $0xF7A;
	s5 =	simm.s32 @!p2 $0x0  }
0x1d: {  	s5 =	simm.s32 @p1 $0x1;
	p0 =	seq.s32 s7, s2  }
0x1e: {  	s7 =	smul.u32 @!p0 $0xF7A, s2;
	p2 =	seq.s32 @!p0 s5, $0x0  }
0x1f: {  	s9 =	smul.u32 $0xF7A, s1;
	s8 =	simm.s32 @!p0 $0x1BF5;
	p2 =	por !p2, p0  }
0x20: {  	[sflag:s8] =	ssyncset.s32 @!p0 $0xFFFFF086;
	s6 =	sadd.s32 @!p0 s3, s7;
	s7 =	simm.s32 @!p0 $0x108  }
0x21: {  	s3 =	sadd.s32 s3, s9;
	s6 =	sadd.s32 @!p0 $0x88, s6;
	s7 =	simm.s32 @p2 $0x1082  }
0x22: {  	[simem:s7], [sflag:s8] =	dma.local @!p0 [hbm:s6], $0xF7A  }
0x23: {  	s9 =	sor.u32 $0xD0000000, s2;
	s6 =	simm.s32 $0x108;
	_ =	swait.ge @!p0 [sflag:s8], $0x0  }
0x24: {  	s3 =	sadd.s32 $0x88, s3;
	s6 =	simm.s32 @!p1 $0x1082;
	[sflag:s4] =	ssyncset.s32 $0xFFFFF086  }
0x25: {  	[simem:s6], [sflag:s4] =	dma.local [hbm:s3], $0xF7A  }
0x26: {  	[smem:$0x3F99] =	sst s1;
	(tag) =	ssettag s2;
	_ =	strace s9  }
0x27: {  	s1 =	sld [smem:$0x3FA9]  }
0x28: {  	s2 =	sld [smem:$0x3FAA]  }
0x29: {  	s4 =	sld [smem:$0x3FAC]  }
0x2a: {  	p0 =	seq.s32 s5, $0x0;
	s5 =	sld [smem:$0x3FAD]  }
0x2b: {  	s6 =	sld [smem:$0x3FAE]  }
0x2c: {  	s7 =	sld [smem:$0x3FAF]  }
0x2d: {  	s3 =	simm.s32 $0x108;
	s8 =	sld [smem:$0x3FB0]  }
0x2e: {  	s3 =	simm.s32 @!p0 $0x1082;
	s9 =	sld [smem:$0x3FB1]  }
0x2f: {  	lr =	sadd.s32 s0, s3;
	s0 =	sld [smem:$0x3FA8]  }
0x30: {  	s3 =	sld [smem:$0x3FAB]  }
0x31: {  	[smem:$0x3FB4] =	sst s10  }
0x32: {  	s10 =	sld [smem:$0x3FB2];
	_ =	sdelay $0x3  }
0x33: {  	p0 =	seq.s32 s10, $0x1;
	s10 =	sld [smem:$0x3FB4];
	_ =	sdelay $0x3  }
0x34: {  	[smem:$0x3FB4] =	sst s10  }
0x35: {  	s10 =	sld [smem:$0x3FB3];
	_ =	sdelay $0x3  }
0x36: {  	p1 =	seq.s32 s10, $0x1;
	s10 =	sld [smem:$0x3FB4];
	_ =	sdelay $0x3  }
0x37: {  	[smem:$0x3FB4] =	sst s10  }
0x38: {  	s10 =	sld [smem:$0x3FB5]  }
0x39: {  	_ = 	snop;
	(pc) =	sbr.ind lr, $3  }
0x3a: {  	_ = 	snop  }
0x3b: {  	_ = 	snop  }
0x3c: {  	p2 =	seq.s32 s10, $0x1;
	s10 =	sld [smem:$0x3FB4]  }
0x3d: {  	_ =	shalt  }
0x3e: {  	_ =	shalt  }
0x3f: {  	_ =	shalt  }
0x40: {  	_ =	shalt  }
0x41: {  	_ =	shalt  }
0x42: {  	_ =	shalt  }
0x43: {  	_ =	shalt  }
0x44: {  	_ =	shalt  }
0x45: {  	_ =	shalt  }
0x46: {  	_ =	shalt  }
0x47: {  	_ =	shalt  }
0x48: {  	_ =	shalt  }
0x49: {  	_ =	shalt  }
0x4a: {  	_ =	shalt  }
0x4b: {  	_ =	shalt  }
0x4c: {  	_ =	shalt  }
0x4d: {  	_ =	shalt  }
0x4e: {  	_ =	shalt  }
0x4f: {  	_ =	shalt  }
0x50: {  	_ =	shalt  }
0x51: {  	_ =	shalt  }
0x52: {  	_ =	shalt  }
0x53: {  	_ =	shalt  }
0x54: {  	_ =	shalt  }
0x55: {  	_ =	shalt  }
0x56: {  	_ =	shalt  }
0x57: {  	_ =	shalt  }
0x58: {  	_ =	shalt  }
0x59: {  	_ =	shalt  }
0x5a: {  	_ =	shalt  }
0x5b: {  	_ =	shalt  }
0x5c: {  	_ =	shalt  }
0x5d: {  	_ =	shalt  }
0x5e: {  	_ =	shalt  }
0x5f: {  	_ =	shalt  }
0x60: {  	_ =	shalt  }
0x61: {  	_ =	shalt  }
0x62: {  	_ =	shalt  }
0x63: {  	_ =	shalt  }
0x64: {  	_ =	shalt  }
0x65: {  	_ =	shalt  }
0x66: {  	_ =	shalt  }
0x67: {  	_ =	shalt  }
0x68: {  	_ =	shalt  }
0x69: {  	_ =	shalt  }
0x6a: {  	_ =	shalt  }
0x6b: {  	_ =	shalt  }
0x6c: {  	_ =	shalt  }
0x6d: {  	_ =	shalt  }
0x6e: {  	_ =	shalt  }
0x6f: {  	_ =	shalt  }
0x70: {  	_ =	shalt  }
0x71: {  	_ =	shalt  }
0x72: {  	_ =	shalt  }
0x73: {  	_ =	shalt  }
0x74: {  	_ =	shalt  }
0x75: {  	_ =	shalt  }
0x76: {  	_ =	shalt  }
0x77: {  	_ =	shalt  }
0x78: {  	_ =	shalt  }
0x79: {  	_ =	shalt  }
0x7a: {  	_ =	shalt  }
0x7b: {  	_ =	shalt  }
0x7c: {  	_ =	shalt  }
0x7d: {  	_ =	shalt  }
0x7e: {  	_ =	shalt  }
0x7f: {  	_ =	shalt  }
0x80: {  	_ =	shalt  }
0x81: {  	_ =	shalt  }
0x82: {  	_ =	shalt  }
0x83: {  	_ =	shalt  }
0x84: {  	_ =	shalt  }
0x85: {  	_ =	shalt  }
0x86: {  	_ =	shalt  }
0x87: {  	_ =	shalt  }
.Lfunc_end0:
.L_simem_size_0:
called_computation.2_lowered:
.L_overlay_start_0:
0x88: {  	s2 =	sld [smem:$0x3FD9]  }
0x89: {  	s3 =	sld [smem:$0x3FFE];
	_ =	sdelay $0x1  }
0x8a: {  	s1 =	srdreg.scid  }
0x8b: {  	s0 =	sand.u32 $0x1, s1  }
0x8c: {  	s17 =	sshll.u32 s0, $0xA;
	s2 =	sadd.s32 s3, s2  }
0x8d: {  	s2 =	sadd.s32 s2, s17  }
0x8e: {  	[smem:$0x3FC0] =	sst s2  }
0x8f: {  	_ = 	snop  }
0x90: {  	s2 =	sld [smem:$0x3FD0];
	(tm) =	ssettm $0x1  }
0x91: {  	s18 =	sld [smem:$0x3FFB];
	_ =	sdelay $0x3  }
0x92: {  	_ =	strace s18  }
0x93: {  	s3 =	sld [smem:$0x3FFC];
	_ =	sdelay $0x3  }
0x94: {  	_ =	strace s3  }
0x95: {  	s3 =	sld [smem:$0x3FFD];
	_ =	sdelay $0x3  }
0x96: {  	_ =	strace s3  }
0x97: {  	_ =	strace $0x8FFFFFFF  }
0x98: {  	s19 =	sld [smem:$0x3FDB];
	_ =	sdelay $0x1  }
0x99: {  	s4 =	simm.s32 $_scs_section_size  }
0x9a: {  	s5 =	simm.s32 $_size__tile_overlayer_lowered;
	s6 =	simm.s32 $_tile_overlayer_lowered  }
0x9b: {  	s22 =	simm.s32 $0x1BFF;
	s21 =	sshll.u32 s6, $0x1;
	s3 =	sadd.s32 s4, s19  }
0x9c: {  	s7 =	simm.s32 $0x0;
	s20 =	sshll.u32 s5, $0x1;
	s5 =	sadd.s32 s21, s3  }
0x9d: {  	[timem:s7], [sflag:s22] =	dma.local [hbm:s5], s20  }
0x9e: {  	_ =	swait.ge [sflag:s22], s20  }
0x9f: {  	s4 =	ssub.s32 $0x0, s20;
	[sflag:s22] =	ssyncset.done $0x0  }
0xa0: {  	[sflag:s22] =	ssyncadd.s32 s4;
	_ =	sdelay $0x1  }
0xa1: {  	s23 =	simm.s32 $0x1B8B  }
0xa2: {  	_ =	swait.ge [sflag:s23], $0x1  }
0xa3: {  	[sflag:s23] =	ssyncset.done $0x0  }
0xa4: {  	s25 =	simm.s32 $0x1B8E;
	s24 =	sld [smem:$0x3FFE];
	[sflag:s23] =	ssyncadd.s32 $0xFFFFFFFF  }
0xa5: {  	s26 =	simm.s32 $execute0_lowered;
	[smem:$0x3FD2] =	sst s25  }
0xa6: {  	s5 =	sshll.u32 s26, $0x1;
	_ =	strace $0x8000004C;
	[dreg:$0x1] =	wrdreg $0xFFFFFFFF  }
0xa7: {  	s28 =	simm.s32 $_size_execute0_lowered;
	s3 =	sadd.s32 s3, s5;
	[dreg:$0x0] =	wrdreg $0x0  }
0xa8: {  	s5 =	sshll.u32 s28, $0x1;
	[dreg:$0x2] =	wrdreg s3  }
0xa9: {  	[dreg:$0x3] =	wrdreg s5  }
0xaa: {  	[dreg:$0x4] =	wrdreg $0xC0  }
0xab: {  	_ =	task [dreg:s7], $0x5FFFF  }
0xac: {  	[dreg:$0x1] =	wrdreg $0xFFFFFFFF  }
0xad: {  	[dreg:$0x0] =	wrdreg $0x60  }
0xae: {  	[dreg:$0x2] =	wrdreg s24  }
0xaf: {  	[dreg:$0x3] =	wrdreg s2  }
0xb0: {  	[dreg:$0x4] =	wrdreg $0xA9000  }
0xb1: {  	[dreg:$0x5] =	wrdreg $0x9  }
0xb2: {  	_ =	task.clear_ibuf [dreg:s7], $0x6FFFF;
	_ =	strace $0x9000004C  }
0xb3: {  	s29 =	simm.s32 $0x9;
	_ =	strace $0x8000004E  }
0xb4: {  	_ =	swait.ge [sflag:s29], $0x1  }
0xb5: {  	[sflag:s29] =	ssyncadd.s32 $0xFFFFFFFF  }
0xb6: {  	_ =	strace $0x9000004E  }
0xb7: {  	_ =	sfence  }
0xb8: {  	s30 =	sld [smem:$0x0];
	_ =	sdelay $0x2  }
0xb9: {  	s31 =	sshll.u32 s1, $0xD;
	s1 =	sshrl.u32 s1, $0x2  }
0xba: {  	s3 =	sand.u32 $0x4000, s31;
	s1 =	sadd.s32 s1, s30  }
0xbb: {  	s0 =	sor.u32 s3, s0;
	s1 =	sshll.u32 s1, $0x11  }
0xbc: {  	s0 =	sor.u32 s1, s0  }
0xbd: {  	s0 =	sadd.s32 $0x8F2B, s0  }
0xbe: {  	[sflag:s0] =	ssyncadd.remote.s32 $0x1  }
0xbf: {  	_ =	sfence.sel $0xFFFF  }
0xc0: {  	[dreg:$0x0] =	wrdreg $0xFFFFFFFF;
	(pc) =	sbr.abs _section_cstart, $3  }
0xc1: {  	[dreg:$0x1] =	wrdreg $0xFFFFFFFF  }
0xc2: {  	_ =	task.clear_ibuf [dreg:s7], $0x2FFFF;
	_ =	strace $0x9FFFFFFF  }
0xc3: {  	(tm) =	ssettm $0x7FFFFFFF  }
tec
execute0_lowered:
.L_overlay_start_1:
0x0: {  	(tag) =	ssettag $0x1  }
0x1: {  	s0 =	rddreg [dreg:$0x0]  }
0x2: {  	s2 =	rddreg [dreg:$0x1];
	s1 =	srdreg.scid  }
0x3: {  	s3 =	rddreg [dreg:$0x2];
	s9 =	stileid.u32;
	s4 =	simm.s32 $0x0  }
0x4: {  	s17 =	simm.s32 $0x2900;
	s18 =	simm.s32 $0x5;
	s19 =	simm.s32 $0x2  }
0x5: {  	s20 =	simm.s32 $0x2800;
	s21 =	simm.s32 $0x80;
	s6 =	smul.u32 $0x2800, s9  }
0x6: {  	s22 =	simm.s32 $0x6900;
	s23 =	simm.s32 $0x2880;
	s8 =	smul.u32 $0x14000, s9  }
0x7: {  	s24 =	simm.s32 $0x1;
	s1 =	sand.u32 $0x1, s1;
	s9 =	smul.u32 $0x50000, s9  }
0x8: {  	s25 =	simm.s32 $0x3;
	s26 =	simm.s32 $0x4;
	s5 =	smul.u32 $0x28000, s1  }
0x9: {  	[smem:$0x7FF] =	sst s4;
	s7 =	smul.u32 $0x140000, s1;
	s1 =	ssub.s32 $0x2, s1  }
0xa: {  	s29 =	simm.s32 $0x0;
	_ =	strace $0x8000004D;
	s28 =	sshrl.u32 s1, $0x1  }
0xb: {  	s9 =	sshrl.u32 s9, $0x2;
	s5 =	sadd.s32 s6, s5;
	s6 =	sadd.s32 $0xCA00, s0  }
0xc: {  	s7 =	sadd.s32 s8, s7;
	s1 =	ssub.s32 s1, s28;
	s13 =	sshrl.u32 s5, $0x3  }
0xd: {  	s7 =	sshrl.u32 s7, $0x3;
	s15 =	smax.u32 s1, $0x1;
	s10 =	sadd.s32 s13, s0  }
0xe: {  	s0 =	sadd.s32 s7, s0;
	s7 =	sadd.s32 s9, s3;
	s13 =	sadd.s32 s2, s13  }
0xf: {  	s30 =	sadd.s32 $0x2A00, s10;
	s31 =	sadd.s32 $0x4000, s7;
	s10 =	sadd.s32 $0x8000, s7  }
0x10: {  	s11 =	sadd.s32 $0xC000, s7;
	s12 =	sadd.s32 $0x10000, s7;
	[dreg:$0x4] =	wrdreg s30  }
0x11: {  	v0 =	vimm.f32 $0.0e+00;
	s14 =	sadd.s32 $0x33C00, s0;
	s16 =	sadd.s32 $0x4F0, s13;
	[dreg:$0x5] =	wrdreg s31  }
.LBB2_1:
0x12: {  	s0 =	rddreg [dreg:$0x4]  }
0x13: {  	[tilespmem:s4], [sflag:$0x2] =	stream.linear.gather [hbm4b:s0+s4], $0x2800, $0x38;
	[tilespmem:$0x1E900] =	vst v63  }
0x14: {  	s1 =	simm.s32 $0x200;
	s0 =	simm.s32 $0x0  }
.LBB2_2:
0x15: {  	p0 =	sne.s32 s1, $0xFE00;
	[tilespmem:s0+$0x2970] =	vst v0  }
0x16: {  	[tilespmem:s0+$0x2900] =	vst v0  }
0x17: {  	[tilespmem:s0+$0x2910] =	vst v0  }
.Ltmp0:
0x18: {  	[tilespmem:s0+$0x2920] =	vst v0;
	(pc) =	sbr.rel @p0 .LBB2_2-.Ltmp0, $4  }
0x19: {  	[tilespmem:s0+$0x2930] =	vst v0  }
0x1a: {  	[tilespmem:s0+$0x2940] =	vst v0  }
0x1b: {  	[tilespmem:s0+$0x2950] =	vst v0  }
0x1c: {  	[tilespmem:s0+$0x2960] =	vst v0;
	s0 =	sshra.s32 s1, $0x2;
	s1 =	sadd.s32 $0x200, s1  }
0x1d: {  	[tilespmem:s0+$0x2970] =	vst v0  }
0x1e: {  	[tilespmem:s0+$0x2900] =	vst v0  }
0x1f: {  	[tilespmem:s0+$0x2910] =	vst v0  }
0x20: {  	[tilespmem:s0+$0x2920] =	vst v0  }
0x21: {  	[tilespmem:s0+$0x2930] =	vst v0  }
0x22: {  	[tilespmem:s0+$0x2940] =	vst v0  }
0x23: {  	[tilespmem:s0+$0x2950] =	vst v0  }
0x24: {  	[tilespmem:s0+$0x2960] =	vst v0  }
0x25: {  	[spmem:s7] =	stream.linear.scatter [tilespmem:s17], [sflag:$0x5], $0x4000, $0x38;
	[tilespmem:$0x1E900] =	vst v63  }
0x26: {  	_ =	swait.ge [sflag:s18], $0x4000  }
0x27: {  	[sflag:s18] =	ssyncset.done $0x0  }
0x28: {  	s8 =	rddreg [dreg:$0x5];
	[sflag:s18] =	ssyncadd.s32 $0xFFFFC000  }
0x29: {  	[spmem:s8] =	stream.linear.scatter [tilespmem:s17], [sflag:$0x5], $0x4000, $0x38;
	[tilespmem:$0x1E900] =	vst v63  }
0x2a: {  	_ =	swait.ge [sflag:s18], $0x4000  }
0x2b: {  	[sflag:s18] =	ssyncset.done $0x0  }
0x2c: {  	[sflag:s18] =	ssyncadd.s32 $0xFFFFC000  }
0x2d: {  	[spmem:s10] =	stream.linear.scatter [tilespmem:s17], [sflag:$0x5], $0x4000, $0x38;
	[tilespmem:$0x1E900] =	vst v63  }
0x2e: {  	_ =	swait.ge [sflag:s18], $0x4000  }
0x2f: {  	[sflag:s18] =	ssyncset.done $0x0  }
0x30: {  	[sflag:s18] =	ssyncadd.s32 $0xFFFFC000  }
0x31: {  	[spmem:s11] =	stream.linear.scatter [tilespmem:s17], [sflag:$0x5], $0x4000, $0x38;
	[tilespmem:$0x1E900] =	vst v63  }
0x32: {  	_ =	swait.ge [sflag:s18], $0x4000  }
0x33: {  	[sflag:s18] =	ssyncset.done $0x0  }
0x34: {  	[sflag:s18] =	ssyncadd.s32 $0xFFFFC000  }
0x35: {  	[spmem:s12] =	stream.linear.scatter [tilespmem:s17], [sflag:$0x5], $0x4000, $0x38;
	[tilespmem:$0x1E900] =	vst v63  }
0x36: {  	_ =	swait.ge [sflag:s18], $0x4000  }
0x37: {  	[sflag:s18] =	ssyncset.done $0x0  }
0x38: {  	[sflag:s18] =	ssyncadd.s32 $0xFFFFC000  }
0x39: {  	s9 =	simm.s32 $0x80;
	s1 =	simm.s32 $0x0;
	_ =	swait.ge [sflag:s19], $0x2800  }
0x3a: {  	s1 =	sand.u32 $0x3C00, s1;
	s8 =	simm.s32 $0x80;
	[sflag:s19] =	ssyncset.done $0x0  }
0x3b: {  	s1 =	sadd.s32 s5, s1;
	s8 =	sand.u32 $0x380, s8;
	[sflag:s19] =	ssyncadd.s32 $0xFFFFD800  }
0x3c: {  	[tilespmem:s17], [sflag:$0x1] =	stream.indirect.gather [hbm4b:s6+s9], $0x80, s4, s9, $0xb8;
	[tilespmem:$0x1E900] =	vst v63  }
0x3d: {  	s1 =	sor.u32 s1, s8  }
0x3e: {  	[tilespmem:s20], [sflag:$0x3] =	stream.linear.gather [hbm4b:s13+s4], $0x80, $0x38;
	[tilespmem:$0x1E900] =	vst v63  }
0x3f: {  	s1 =	sshrl.u32 s1, $0x3;
	[bflag:$0x0] =	sbarrier.arrive $0xFFFF  }
0x40: {  	[tilespmem:s22], [sflag:$0x2] =	stream.indirect.gather [hbm4b:s6+s21], $0x80, s9, s21, $0xb8;
	[tilespmem:$0x1E900] =	vst v63  }
0x41: {  	s8 =	sadd.s32 s2, s1  }
0x42: {  	[tilespmem:s23], [sflag:$0x4] =	stream.linear.gather [hbm4b:s8+s4], $0x80, $0x38;
	[tilespmem:$0x1E900] =	vst v63  }
0x43: {  	_ =	swait.ge [sflag:s24], $0x4000  }
0x44: {  	[sflag:s24] =	ssyncset.done $0x0  }
0x45: {  	[sflag:s24] =	ssyncadd.s32 $0xFFFFC000  }
0x46: {  	_ =	swait.ge [sflag:s25], $0x80  }
0x47: {  	s9 =	simm.s32 $0x100;
	[sflag:s25] =	ssyncset.done $0x0  }
0x48: {  	s8 =	sand.u32 $0x7C00, s9;
	[sflag:s25] =	ssyncadd.s32 $0xFFFFFF80  }
0x49: {  	[spmem:s3] =	stream.indirect.scatter.add.f32 [tilespmem:s17], [sflag:$0x5], $0x80, s20, s21, $0xb8;
	[tilespmem:$0x1E900] =	vst v63  }
0x4a: {  	s0 =	sand.u32 $0x300, s9;
	s1 =	sadd.s32 s5, s8;
	_ =	swait.ge [sflag:s18], $0x4000  }
0x4b: {  	s0 =	sor.u32 s0, s1;
	[sflag:s18] =	ssyncset.done $0x0  }
0x4c: {  	s9 =	simm.s32 $0x100;
	s0 =	sshrl.u32 s0, $0x3;
	[sflag:s18] =	ssyncadd.s32 $0xFFFFC000  }
0x4d: {  	[tilespmem:s17], [sflag:$0x1] =	stream.indirect.gather [hbm4b:s6+s21], $0x80, s9, s21, $0xb8;
	[tilespmem:$0x1E900] =	vst v63  }
0x4e: {  	s0 =	sadd.s32 s2, s0  }
0x4f: {  	[tilespmem:s20], [sflag:$0x3] =	stream.linear.gather [hbm4b:s0+s4], $0x80, $0x38;
	[tilespmem:$0x1E900] =	vst v63  }
0x50: {  	_ =	swait.ge [sflag:s19], $0x4000  }
0x51: {  	s31 =	simm.s32 $0x200;
	s30 =	simm.s32 $0x180;
	[sflag:s19] =	ssyncset.done $0x0  }
0x52: {  	s8 =	simm.s32 $0x180;
	s9 =	simm.s32 $0x100;
	[sflag:s19] =	ssyncadd.s32 $0xFFFFC000  }
0x53: {  	s28 =	sand.u32 $0x3C00, s9;
	s0 =	simm.s32 $0x300;
	_ =	swait.ge [sflag:s26], $0x80  }
.LBB2_4:
0x54: {  	s28 =	sadd.s32 s5, s28  }
0x55: {  	s8 =	sand.u32 $0x380, s8;
	[sflag:s26] =	ssyncset.done $0x0;
	s9 =	smov.u32 s0  }
0x56: {  	s1 =	sadd.s32 $0x100, s0;
	s8 =	sor.u32 s28, s8;
	[sflag:s26] =	ssyncadd.s32 $0xFFFFFF80  }
0x57: {  	[spmem:s3] =	stream.indirect.scatter.add.f32 [tilespmem:s22], [sflag:$0x5], $0x80, s23, s21, $0xb8;
	[tilespmem:$0x1E900] =	vst v63  }
0x58: {  	p0 =	sne.s32 s0, $0x2700;
	s0 =	sshrl.u32 s8, $0x3;
	_ =	swait.ge [sflag:s18], $0x4000  }
0x59: {  	[sflag:s18] =	ssyncset.done $0x0  }
0x5a: {  	[sflag:s18] =	ssyncadd.s32 $0xFFFFC000  }
0x5b: {  	[tilespmem:s22], [sflag:$0x2] =	stream.indirect.gather [hbm4b:s6+s21], $0x80, s30, s21, $0xb8;
	[tilespmem:$0x1E900] =	vst v63  }
0x5c: {  	s0 =	sadd.s32 s2, s0  }
0x5d: {  	[tilespmem:s23], [sflag:$0x4] =	stream.linear.gather [hbm4b:s0+s4], $0x80, $0x38;
	[tilespmem:$0x1E900] =	vst v63  }
0x5e: {  	_ =	swait.ge [sflag:s24], $0x4000  }
0x5f: {  	[sflag:s24] =	ssyncset.done $0x0  }
0x60: {  	[sflag:s24] =	ssyncadd.s32 $0xFFFFC000  }
0x61: {  	_ =	swait.ge [sflag:s25], $0x80  }
0x62: {  	[sflag:s25] =	ssyncset.done $0x0  }
0x63: {  	[sflag:s25] =	ssyncadd.s32 $0xFFFFFF80  }
0x64: {  	[spmem:s3] =	stream.indirect.scatter.add.f32 [tilespmem:s17], [sflag:$0x5], $0x80, s20, s21, $0xb8;
	[tilespmem:$0x1E900] =	vst v63  }
0x65: {  	s0 =	sand.u32 $0x7C00, s31;
	_ =	swait.ge [sflag:s18], $0x4000  }
0x66: {  	s8 =	sand.u32 $0x300, s31;
	s0 =	sadd.s32 s5, s0;
	[sflag:s18] =	ssyncset.done $0x0  }
0x67: {  	s28 =	sadd.s32 $0x80, s30;
	s0 =	sor.u32 s8, s0;
	[sflag:s18] =	ssyncadd.s32 $0xFFFFC000  }
0x68: {  	[tilespmem:s17], [sflag:$0x1] =	stream.indirect.gather [hbm4b:s6+s21], $0x80, s28, s21, $0xb8;
	[tilespmem:$0x1E900] =	vst v63  }
0x69: {  	s31 =	smov.u32 s9;
	s0 =	sshrl.u32 s0, $0x3  }
0x6a: {  	s0 =	sadd.s32 s2, s0  }
0x6b: {  	[tilespmem:s20], [sflag:$0x3] =	stream.linear.gather [hbm4b:s0+s4], $0x80, $0x38;
	[tilespmem:$0x1E900] =	vst v63  }
.Ltmp1:
0x6c: {  	_ = 	snop;
	(pc) =	sbr.rel @p0 .LBB2_4-.Ltmp1, $4  }
0x6d: {  	_ =	swait.ge [sflag:s19], $0x4000  }
0x6e: {  	s30 =	sadd.s32 $0x100, s30;
	[sflag:s19] =	ssyncset.done $0x0  }
0x6f: {  	s8 =	sadd.s32 $0xFFFFFF80, s31;
	s0 =	sadd.s32 $0xFFFFFF00, s31;
	[sflag:s19] =	ssyncadd.s32 $0xFFFFC000  }
0x70: {  	s28 =	sand.u32 $0x3C00, s0;
	s0 =	smov.u32 s1;
	_ =	swait.ge [sflag:s26], $0x80  }
0x71: {  	[sflag:s26] =	ssyncset.done $0x0  }
0x72: {  	[sflag:s26] =	ssyncadd.s32 $0xFFFFFF80  }
0x73: {  	[spmem:s3] =	stream.indirect.scatter.add.f32 [tilespmem:s22], [sflag:$0x5], $0x80, s23, s21, $0xb8;
	[tilespmem:$0x1E900] =	vst v63  }
0x74: {  	s0 =	sadd.s32 s5, s28;
	s1 =	sand.u32 $0x380, s8;
	_ =	swait.ge [sflag:s18], $0x4000  }
0x75: {  	s0 =	sor.u32 s0, s1;
	[sflag:s18] =	ssyncset.done $0x0  }
0x76: {  	s0 =	sshrl.u32 s0, $0x3;
	[sflag:s18] =	ssyncadd.s32 $0xFFFFC000  }
0x77: {  	[tilespmem:s22], [sflag:$0x2] =	stream.indirect.gather [hbm4b:s6+s21], $0x80, s30, s21, $0xb8;
	[tilespmem:$0x1E900] =	vst v63  }
0x78: {  	s0 =	sadd.s32 s2, s0  }
0x79: {  	[tilespmem:s23], [sflag:$0x4] =	stream.linear.gather [hbm4b:s0+s4], $0x80, $0x38;
	[tilespmem:$0x1E900] =	vst v63  }
0x7a: {  	_ =	swait.ge [sflag:s24], $0x4000  }
0x7b: {  	[sflag:s24] =	ssyncset.done $0x0  }
0x7c: {  	[sflag:s24] =	ssyncadd.s32 $0xFFFFC000  }
0x7d: {  	_ =	swait.ge [sflag:s25], $0x80  }
0x7e: {  	[sflag:s25] =	ssyncset.done $0x0  }
0x7f: {  	s1 =	sand.u32 $0x7C00, s31;
	[sflag:s25] =	ssyncadd.s32 $0xFFFFFF80  }
0x80: {  	[spmem:s3] =	stream.indirect.scatter.add.f32 [tilespmem:s17], [sflag:$0x5], $0x80, s20, s21, $0xb8;
	[tilespmem:$0x1E900] =	vst v63  }
0x81: {  	s8 =	sand.u32 $0x300, s31;
	s0 =	sadd.s32 s5, s1;
	_ =	swait.ge [sflag:s18], $0x4000  }
0x82: {  	s0 =	sor.u32 s8, s0;
	[sflag:s18] =	ssyncset.done $0x0  }
0x83: {  	s9 =	sadd.s32 $0x80, s30;
	s0 =	sshrl.u32 s0, $0x3;
	[sflag:s18] =	ssyncadd.s32 $0xFFFFC000  }
0x84: {  	[tilespmem:s17], [sflag:$0x1] =	stream.indirect.gather [hbm4b:s6+s21], $0x80, s9, s21, $0xb8;
	[tilespmem:$0x1E900] =	vst v63  }
0x85: {  	s0 =	sadd.s32 s2, s0  }
0x86: {  	[tilespmem:s20], [sflag:$0x3] =	stream.linear.gather [hbm4b:s0+s4], $0x80, $0x38;
	[tilespmem:$0x1E900] =	vst v63  }
0x87: {  	_ =	swait.ge [sflag:s19], $0x4000  }
0x88: {  	[sflag:s19] =	ssyncset.done $0x0  }
0x89: {  	[sflag:s19] =	ssyncadd.s32 $0xFFFFC000  }
0x8a: {  	_ =	swait.ge [sflag:s26], $0x80  }
0x8b: {  	[sflag:s26] =	ssyncset.done $0x0  }
0x8c: {  	[sflag:s26] =	ssyncadd.s32 $0xFFFFFF80  }
0x8d: {  	[spmem:s3] =	stream.indirect.scatter.add.f32 [tilespmem:s22], [sflag:$0x5], $0x80, s23, s21, $0xb8;
	[tilespmem:$0x1E900] =	vst v63  }
0x8e: {  	_ =	swait.ge [sflag:s18], $0x4000  }
0x8f: {  	[sflag:s18] =	ssyncset.done $0x0  }
0x90: {  	s28 =	simm.s32 $0x2780;
	[sflag:s18] =	ssyncadd.s32 $0xFFFFC000  }
0x91: {  	[tilespmem:s22], [sflag:$0x2] =	stream.indirect.gather [hbm4b:s6+s21], $0x80, s28, s21, $0xb8;
	[tilespmem:$0x1E900] =	vst v63  }
0x92: {  	_ = 	snop  }
0x93: {  	[tilespmem:s23], [sflag:$0x4] =	stream.linear.gather [hbm4b:s16+s4], $0x80, $0x38;
	[tilespmem:$0x1E900] =	vst v63  }
0x94: {  	_ =	swait.ge [sflag:s24], $0x4000  }
0x95: {  	[sflag:s24] =	ssyncset.done $0x0  }
0x96: {  	[sflag:s24] =	ssyncadd.s32 $0xFFFFC000  }
0x97: {  	_ =	swait.ge [sflag:s25], $0x80  }
0x98: {  	[sflag:s25] =	ssyncset.done $0x0  }
0x99: {  	[sflag:s25] =	ssyncadd.s32 $0xFFFFFF80  }
0x9a: {  	[spmem:s3] =	stream.indirect.scatter.add.f32 [tilespmem:s17], [sflag:$0x5], $0x80, s20, s21, $0xb8;
	[tilespmem:$0x1E900] =	vst v63  }
0x9b: {  	_ =	swait.ge [sflag:s18], $0x4000  }
0x9c: {  	[sflag:s18] =	ssyncset.done $0x0  }
0x9d: {  	[sflag:s18] =	ssyncadd.s32 $0xFFFFC000  }
0x9e: {  	_ =	swait.ge [sflag:s19], $0x4000  }
0x9f: {  	[sflag:s19] =	ssyncset.done $0x0  }
0xa0: {  	[sflag:s19] =	ssyncadd.s32 $0xFFFFC000  }
0xa1: {  	_ =	swait.ge [sflag:s26], $0x80  }
0xa2: {  	[sflag:s26] =	ssyncset.done $0x0  }
0xa3: {  	[sflag:s26] =	ssyncadd.s32 $0xFFFFFF80  }
0xa4: {  	[spmem:s3] =	stream.indirect.scatter.add.f32 [tilespmem:s22], [sflag:$0x5], $0x80, s23, s21, $0xb8;
	[tilespmem:$0x1E900] =	vst v63  }
0xa5: {  	s29 =	sadd.s32 $0x1, s29;
	_ =	swait.ge [sflag:s18], $0x4000  }
0xa6: {  	s31 =	sshrl.u32 s7, $0x3;
	s30 =	stileid.u32;
	[sflag:s18] =	ssyncset.done $0x0  }
0xa7: {  	p0 =	sne.s32 s29, s15;
	s0 =	sshll.u32 s30, $0x6;
	[sflag:s18] =	ssyncadd.s32 $0xFFFFC000  }
.Ltmp2:
0xa8: {  	s0 =	sor.u32 $0x1C05, s0;
	[bflag:$0x0] =	sbarrier.arrive $0xFFFF;
	(pc) =	sbr.rel @p0 .LBB2_1-.Ltmp2, $4  }
0xa9: {  	[hbm:s14], [sflag:s0] =	dma.local [spmem:s31], $0x2800  }
0xaa: {  	_ =	swait.ge [sflag:s18], $0x2800  }
0xab: {  	[sflag:s18] =	ssyncset.done $0x0  }
0xac: {  	[sflag:s18] =	ssyncadd.s32 $0xFFFFD800  }
0xad: {  	_ =	sfence.sel $0x180000  }
0xae: {  	[bflag:$0x0] =	sbarrier.arrive $0xFFFF  }
0xaf: {  	_ =	strace $0x9000004D  }
0xb0: {  	s0 =	stileid.u32;
	[bflag:$0x2] =	sbarrier.arrive $0xFFFF  }
0xb1: {  	p0 =	sne.s32 s0, $0x0;
	s0 =	rddreg [dreg:$0x3]  }
0xb2: {  	s0 =	sadd.s32 @!p0 $0x100000, s0  }
0xb3: {  	[sflag:s0] =	ssyncadd.tile.s32 @!p0 $0x1;
	_ =	shalt  }
.Lfunc_end2:
_tile_overlayer_lowered:
.L_overlay_start_2:
0xb4: {  	(tag) =	ssettag $0x2  }
0xb5: {  	s0 =	rddreg [dreg:$0x0];
	s2 =	stileid.u32  }
0xb6: {  	s1 =	rddreg [dreg:$0x1];
	p0 =	sne.s32 s2, $0x0  }
0xb7: {  	s3 =	rddreg [dreg:$0x2];
	[bflag:$0x3] =	sbarrier.arrive $0xFFFF;
	s2 =	simm.s32 @!p0 $0x1C05  }
0xb8: {  	[timem:s3], [sflag:s2] =	dma.local @!p0 [hbm:s0], s1  }
0xb9: {  	s0 =	simm.s32 @!p0 $0x5  }
0xba: {  	_ =	swait.ge @!p0 [sflag:s0], s1  }
0xbb: {  	s1 =	ssub.s32 @!p0 $0x0, s1;
	[sflag:s0] =	ssyncset.done @!p0 $0x0  }
0xbc: {  	[sflag:s0] =	ssyncadd.s32 @!p0 s1  }
0xbd: {  	[bflag:$0x3] =	sbarrier.arrive $0xFFFF  }
0xbe: {  	_ =	shalt  }

// kernel: kernel.9.cloned.1.call-start
scs
__scs_entry_jumppad:
0x0: {  	(pc) =	sbr.rel $0x88, $3  }
0x1: {  	(tag) =	ssettag $0x0;
	lr =	simm.s32 $0x1  }
0x2: {  	[smem:$0x3F99] =	sst lr;
	_ =	strace $0xD0000000  }
0x3: {  	_ = 	snop  }
0x4: {  	_ = 	snop  }
0x5: {  	_ = 	snop  }
0x6: {  	_ = 	snop  }
0x7: {  	_ = 	snop  }
__scs_overlays_trampoline_lowered:
0x8: {  	[smem:$0x3FA8] =	sst s0  }
0x9: {  	[smem:$0x3FA9] =	sst s1  }
0xa: {  	[smem:$0x3FAA] =	sst s2  }
0xb: {  	[smem:$0x3FAB] =	sst s3  }
0xc: {  	[smem:$0x3FAC] =	sst s4  }
0xd: {  	[smem:$0x3FAD] =	sst s5  }
0xe: {  	[smem:$0x3FAE] =	sst s6  }
0xf: {  	[smem:$0x3FAF] =	sst s7  }
0x10: {  	[smem:$0x3FB0] =	sst s8  }
0x11: {  	[smem:$0x3FB1] =	sst s9;
	s0 =	simm.s32 @!p0 $0x0  }
0x12: {  	s1 =	sld [smem:$0x3F97];
	s0 =	simm.s32 @p0 $0x1  }
0x13: {  	[smem:$0x3FB2] =	sst s0;
	s0 =	simm.s32 @!p1 $0x0  }
0x14: {  	s2 =	sld [smem:$0x3F96];
	s0 =	simm.s32 @p1 $0x1  }
0x15: {  	[smem:$0x3FB3] =	sst s0;
	s0 =	simm.s32 @!p2 $0x0  }
0x16: {  	s3 =	sld [smem:$0x3FDB];
	s0 =	simm.s32 @p2 $0x1  }
0x17: {  	s4 =	simm.s32 $0x1BF5;
	[smem:$0x3FB5] =	sst s0  }
0x18: {  	s0 =	sld [smem:$0x3F98];
	_ =	swait.ge [sflag:s4], $0x0  }
0x19: {  	s7 =	sld [smem:$0x3F99]  }
0x1a: {  	s8 =	sadd.s32 $0xFFFFE003, lr  }
0x1b: {  	s9 =	sadd.s32 $0xFFFFFEF7, lr;
	s5 =	simm.s32 $0xFFFFFFFF;
	p2 =	slt.u32 s8, $0xFFFFF086  }
0x1c: {  	p1 =	slt.u32 s9, $0xF7A;
	s5 =	simm.s32 @!p2 $0x0  }
0x1d: {  	s5 =	simm.s32 @p1 $0x1;
	p0 =	seq.s32 s7, s2  }
0x1e: {  	s7 =	smul.u32 @!p0 $0xF7A, s2;
	p2 =	seq.s32 @!p0 s5, $0x0  }
0x1f: {  	s9 =	smul.u32 $0xF7A, s1;
	s8 =	simm.s32 @!p0 $0x1BF5;
	p2 =	por !p2, p0  }
0x20: {  	[sflag:s8] =	ssyncset.s32 @!p0 $0xFFFFF086;
	s6 =	sadd.s32 @!p0 s3, s7;
	s7 =	simm.s32 @!p0 $0x108  }
0x21: {  	s3 =	sadd.s32 s3, s9;
	s6 =	sadd.s32 @!p0 $0x88, s6;
	s7 =	simm.s32 @p2 $0x1082  }
0x22: {  	[simem:s7], [sflag:s8] =	dma.local @!p0 [hbm:s6], $0xF7A  }
0x23: {  	s9 =	sor.u32 $0xD0000000, s2;
	s6 =	simm.s32 $0x108;
	_ =	swait.ge @!p0 [sflag:s8], $0x0  }
0x24: {  	s3 =	sadd.s32 $0x88, s3;
	s6 =	simm.s32 @!p1 $0x1082;
	[sflag:s4] =	ssyncset.s32 $0xFFFFF086  }
0x25: {  	[simem:s6], [sflag:s4] =	dma.local [hbm:s3], $0xF7A  }
0x26: {  	[smem:$0x3F99] =	sst s1;
	(tag) =	ssettag s2;
	_ =	strace s9  }
0x27: {  	s1 =	sld [smem:$0x3FA9]  }
0x28: {  	s2 =	sld [smem:$0x3FAA]  }
0x29: {  	s4 =	sld [smem:$0x3FAC]  }
0x2a: {  	p0 =	seq.s32 s5, $0x0;
	s5 =	sld [smem:$0x3FAD]  }
0x2b: {  	s6 =	sld [smem:$0x3FAE]  }
0x2c: {  	s7 =	sld [smem:$0x3FAF]  }
0x2d: {  	s3 =	simm.s32 $0x108;
	s8 =	sld [smem:$0x3FB0]  }
0x2e: {  	s3 =	simm.s32 @!p0 $0x1082;
	s9 =	sld [smem:$0x3FB1]  }
0x2f: {  	lr =	sadd.s32 s0, s3;
	s0 =	sld [smem:$0x3FA8]  }
0x30: {  	s3 =	sld [smem:$0x3FAB]  }
0x31: {  	[smem:$0x3FB4] =	sst s10  }
0x32: {  	s10 =	sld [smem:$0x3FB2];
	_ =	sdelay $0x3  }
0x33: {  	p0 =	seq.s32 s10, $0x1;
	s10 =	sld [smem:$0x3FB4];
	_ =	sdelay $0x3  }
0x34: {  	[smem:$0x3FB4] =	sst s10  }
0x35: {  	s10 =	sld [smem:$0x3FB3];
	_ =	sdelay $0x3  }
0x36: {  	p1 =	seq.s32 s10, $0x1;
	s10 =	sld [smem:$0x3FB4];
	_ =	sdelay $0x3  }
0x37: {  	[smem:$0x3FB4] =	sst s10  }
0x38: {  	s10 =	sld [smem:$0x3FB5]  }
0x39: {  	_ = 	snop;
	(pc) =	sbr.ind lr, $3  }
0x3a: {  	_ = 	snop  }
0x3b: {  	_ = 	snop  }
0x3c: {  	p2 =	seq.s32 s10, $0x1;
	s10 =	sld [smem:$0x3FB4]  }
0x3d: {  	_ =	shalt  }
0x3e: {  	_ =	shalt  }
0x3f: {  	_ =	shalt  }
0x40: {  	_ =	shalt  }
0x41: {  	_ =	shalt  }
0x42: {  	_ =	shalt  }
0x43: {  	_ =	shalt  }
0x44: {  	_ =	shalt  }
0x45: {  	_ =	shalt  }
0x46: {  	_ =	shalt  }
0x47: {  	_ =	shalt  }
0x48: {  	_ =	shalt  }
0x49: {  	_ =	shalt  }
0x4a: {  	_ =	shalt  }
0x4b: {  	_ =	shalt  }
0x4c: {  	_ =	shalt  }
0x4d: {  	_ =	shalt  }
0x4e: {  	_ =	shalt  }
0x4f: {  	_ =	shalt  }
0x50: {  	_ =	shalt  }
0x51: {  	_ =	shalt  }
0x52: {  	_ =	shalt  }
0x53: {  	_ =	shalt  }
0x54: {  	_ =	shalt  }
0x55: {  	_ =	shalt  }
0x56: {  	_ =	shalt  }
0x57: {  	_ =	shalt  }
0x58: {  	_ =	shalt  }
0x59: {  	_ =	shalt  }
0x5a: {  	_ =	shalt  }
0x5b: {  	_ =	shalt  }
0x5c: {  	_ =	shalt  }
0x5d: {  	_ =	shalt  }
0x5e: {  	_ =	shalt  }
0x5f: {  	_ =	shalt  }
0x60: {  	_ =	shalt  }
0x61: {  	_ =	shalt  }
0x62: {  	_ =	shalt  }
0x63: {  	_ =	shalt  }
0x64: {  	_ =	shalt  }
0x65: {  	_ =	shalt  }
0x66: {  	_ =	shalt  }
0x67: {  	_ =	shalt  }
0x68: {  	_ =	shalt  }
0x69: {  	_ =	shalt  }
0x6a: {  	_ =	shalt  }
0x6b: {  	_ =	shalt  }
0x6c: {  	_ =	shalt  }
0x6d: {  	_ =	shalt  }
0x6e: {  	_ =	shalt  }
0x6f: {  	_ =	shalt  }
0x70: {  	_ =	shalt  }
0x71: {  	_ =	shalt  }
0x72: {  	_ =	shalt  }
0x73: {  	_ =	shalt  }
0x74: {  	_ =	shalt  }
0x75: {  	_ =	shalt  }
0x76: {  	_ =	shalt  }
0x77: {  	_ =	shalt  }
0x78: {  	_ =	shalt  }
0x79: {  	_ =	shalt  }
0x7a: {  	_ =	shalt  }
0x7b: {  	_ =	shalt  }
0x7c: {  	_ =	shalt  }
0x7d: {  	_ =	shalt  }
0x7e: {  	_ =	shalt  }
0x7f: {  	_ =	shalt  }
0x80: {  	_ =	shalt  }
0x81: {  	_ =	shalt  }
0x82: {  	_ =	shalt  }
0x83: {  	_ =	shalt  }
0x84: {  	_ =	shalt  }
0x85: {  	_ =	shalt  }
0x86: {  	_ =	shalt  }
0x87: {  	_ =	shalt  }
.Lfunc_end0:
.L_simem_size_0:
called_computation_lowered:
.L_overlay_start_0:
0x88: {  	s2 =	sld [smem:$0x3FD9]  }
0x89: {  	s3 =	sld [smem:$0x3FFE];
	_ =	sdelay $0x1  }
0x8a: {  	s1 =	srdreg.scid  }
0x8b: {  	s0 =	sand.u32 $0x1, s1  }
0x8c: {  	s17 =	sshll.u32 s0, $0xA;
	s2 =	sadd.s32 s3, s2  }
0x8d: {  	s2 =	sadd.s32 s2, s17  }
0x8e: {  	[smem:$0x3FC0] =	sst s2  }
0x8f: {  	_ = 	snop  }
0x90: {  	s2 =	sld [smem:$0x3FD0];
	(tm) =	ssettm $0x1  }
0x91: {  	s18 =	sld [smem:$0x3FFB];
	_ =	sdelay $0x3  }
0x92: {  	_ =	strace s18  }
0x93: {  	s3 =	sld [smem:$0x3FFC];
	_ =	sdelay $0x3  }
0x94: {  	_ =	strace s3  }
0x95: {  	s3 =	sld [smem:$0x3FFD];
	_ =	sdelay $0x3  }
0x96: {  	_ =	strace s3  }
0x97: {  	_ =	strace $0x8FFFFFFF  }
0x98: {  	s19 =	sld [smem:$0x3FDB];
	_ =	sdelay $0x1  }
0x99: {  	s4 =	simm.s32 $_scs_section_size  }
0x9a: {  	s5 =	simm.s32 $_size__tile_overlayer_lowered;
	s6 =	simm.s32 $_tile_overlayer_lowered  }
0x9b: {  	s22 =	simm.s32 $0x1BFF;
	s21 =	sshll.u32 s6, $0x1;
	s3 =	sadd.s32 s4, s19  }
0x9c: {  	s7 =	simm.s32 $0x0;
	s20 =	sshll.u32 s5, $0x1;
	s5 =	sadd.s32 s21, s3  }
0x9d: {  	[timem:s7], [sflag:s22] =	dma.local [hbm:s5], s20  }
0x9e: {  	_ =	swait.ge [sflag:s22], s20  }
0x9f: {  	s4 =	ssub.s32 $0x0, s20;
	[sflag:s22] =	ssyncset.done $0x0  }
0xa0: {  	[sflag:s22] =	ssyncadd.s32 s4;
	_ =	sdelay $0x1  }
0xa1: {  	s23 =	simm.s32 $0x1B8B  }
0xa2: {  	_ =	swait.ge [sflag:s23], $0x1  }
0xa3: {  	[sflag:s23] =	ssyncset.done $0x0  }
0xa4: {  	s25 =	simm.s32 $0x1B8E;
	s24 =	sld [smem:$0x3FFE];
	[sflag:s23] =	ssyncadd.s32 $0xFFFFFFFF  }
0xa5: {  	s26 =	simm.s32 $execute0_lowered;
	[smem:$0x3FD2] =	sst s25  }
0xa6: {  	s5 =	sshll.u32 s26, $0x1;
	_ =	strace $0x80000046;
	[dreg:$0x1] =	wrdreg $0xFFFFFFFF  }
0xa7: {  	s28 =	simm.s32 $_size_execute0_lowered;
	s3 =	sadd.s32 s3, s5;
	[dreg:$0x0] =	wrdreg $0x0  }
0xa8: {  	s5 =	sshll.u32 s28, $0x1;
	[dreg:$0x2] =	wrdreg s3  }
0xa9: {  	[dreg:$0x3] =	wrdreg s5  }
0xaa: {  	[dreg:$0x4] =	wrdreg $0xC0  }
0xab: {  	_ =	task [dreg:s7], $0x5FFFF  }
0xac: {  	[dreg:$0x1] =	wrdreg $0xFFFFFFFF  }
0xad: {  	[dreg:$0x0] =	wrdreg $0x60  }
0xae: {  	[dreg:$0x2] =	wrdreg s2  }
0xaf: {  	[dreg:$0x3] =	wrdreg s24  }
0xb0: {  	[dreg:$0x4] =	wrdreg $0x29000  }
0xb1: {  	[dreg:$0x5] =	wrdreg $0x9  }
0xb2: {  	_ =	task.clear_ibuf [dreg:s7], $0x6FFFF;
	_ =	strace $0x90000046  }
0xb3: {  	s29 =	simm.s32 $0x9;
	_ =	strace $0x80000048  }
0xb4: {  	_ =	swait.ge [sflag:s29], $0x1  }
0xb5: {  	[sflag:s29] =	ssyncadd.s32 $0xFFFFFFFF  }
0xb6: {  	_ =	strace $0x90000048  }
0xb7: {  	_ =	sfence  }
0xb8: {  	s30 =	sld [smem:$0x0];
	_ =	sdelay $0x2  }
0xb9: {  	s31 =	sshll.u32 s1, $0xD;
	s1 =	sshrl.u32 s1, $0x2  }
0xba: {  	s3 =	sand.u32 $0x4000, s31;
	s1 =	sadd.s32 s1, s30  }
0xbb: {  	s0 =	sor.u32 s3, s0;
	s1 =	sshll.u32 s1, $0x11  }
0xbc: {  	s0 =	sor.u32 s1, s0  }
0xbd: {  	s0 =	sadd.s32 $0x8F2B, s0  }
0xbe: {  	[sflag:s0] =	ssyncadd.remote.s32 $0x1  }
0xbf: {  	_ =	sfence.sel $0xFFFF  }
0xc0: {  	[dreg:$0x0] =	wrdreg $0xFFFFFFFF;
	(pc) =	sbr.abs _section_cstart, $3  }
0xc1: {  	[dreg:$0x1] =	wrdreg $0xFFFFFFFF  }
0xc2: {  	_ =	task.clear_ibuf [dreg:s7], $0x2FFFF;
	_ =	strace $0x9FFFFFFF  }
0xc3: {  	(tm) =	ssettm $0x7FFFFFFF  }
tec
execute0_lowered:
.L_overlay_start_1:
0x0: {  	(tag) =	ssettag $0x1  }
0x1: {  	s5 =	rddreg [dreg:$0x0]  }
0x2: {  	s4 =	rddreg [dreg:$0x1];
	s1 =	srdreg.scid  }
0x3: {  	s0 =	stileid.u32;
	s2 =	rddreg [dreg:$0x2];
	s3 =	simm.s32 $0x0  }
0x4: {  	s13 =	simm.s32 $0x3;
	s14 =	simm.s32 $0x2;
	s15 =	simm.s32 $0x80  }
0x5: {  	s16 =	simm.s32 $0x2800;
	s17 =	simm.s32 $0x1;
	s18 =	simm.s32 $0x2780  }
0x6: {  	s21 =	simm.s32 $0x20;
	s22 =	simm.s32 $0x10;
	s7 =	smul.u32 $0x500, s0  }
0x7: {  	s6 =	sand.u32 $0x1, s1;
	s1 =	rddreg [dreg:$0x3];
	s28 =	smul.u32 $0x2800, s0  }
0x8: {  	s23 =	simm.s32 $0x0;
	[smem:$0x7FF] =	sst s3;
	s10 =	smul.u32 $0xA00, s0  }
0x9: {  	s19 =	sshll.u32 s0, $0x6;
	s8 =	sshll.u32 s6, $0x7;
	s9 =	smul.u32 $0x28000, s6  }
0xa: {  	_ =	strace $0x80000047;
	s6 =	ssub.s32 $0x2, s6;
	s19 =	sor.u32 $0x1C03, s19  }
0xb: {  	s7 =	sor.u32 s8, s7;
	s30 =	sshrl.u32 s10, $0x2;
	s31 =	sshrl.u32 s6, $0x1  }
0xc: {  	s7 =	sshrl.u32 s7, $0x3;
	s29 =	sadd.s32 s28, s9;
	s12 =	ssub.s32 s6, s31  }
0xd: {  	s11 =	sadd.s32 s7, s4;
	s9 =	sshrl.u32 s29, $0x3;
	s4 =	sadd.s32 s30, s2  }
0xe: {  	s5 =	sadd.s32 s5, s9;
	s6 =	sadd.s32 $0x80, s4;
	s7 =	sadd.s32 $0x100, s4  }
0xf: {  	s8 =	sadd.s32 $0x180, s4;
	s9 =	sadd.s32 $0x200, s4;
	s10 =	sadd.s32 $0xCA00, s11  }
0x10: {  	v0 =	vimm.f32 $1.000000000e+00;
	v1 =	vimm.f32 $0.0e+00;
	s11 =	smax.u32 s12, $0x1;
	s12 =	simm.s32 $0x2880;
	s20 =	sshrl.u32 s4, $0x3  }
.LBB2_1:
0x11: {  	[tilespmem:s3], [sflag:$0x2] =	stream.linear.gather [hbm4b:s5+s3], $0x2800, $0x38;
	[tilespmem:$0x2B80] =	vst v63  }
0x12: {  	[tilespmem:$0x2800] =	vst v0  }
0x13: {  	[tilespmem:$0x2810] =	vst v0  }
0x14: {  	[tilespmem:$0x2820] =	vst v0  }
0x15: {  	[tilespmem:$0x2830] =	vst v0  }
0x16: {  	[tilespmem:$0x2840] =	vst v0  }
0x17: {  	[tilespmem:$0x2850] =	vst v0  }
0x18: {  	[tilespmem:$0x2860] =	vst v0  }
0x19: {  	[tilespmem:$0x2870] =	vst v0  }
0x1a: {  	[tilespmem:$0x2880] =	vst v1  }
0x1b: {  	[tilespmem:$0x2890] =	vst v1  }
0x1c: {  	[tilespmem:$0x28A0] =	vst v1  }
0x1d: {  	[tilespmem:$0x28B0] =	vst v1  }
0x1e: {  	[tilespmem:$0x28C0] =	vst v1  }
0x1f: {  	[tilespmem:$0x28D0] =	vst v1  }
0x20: {  	[tilespmem:$0x28E0] =	vst v1  }
0x21: {  	[tilespmem:$0x28F0] =	vst v1  }
0x22: {  	[spmem:s4] =	stream.linear.scatter [tilespmem:s12], [sflag:$0x3], $0x80, $0x38;
	[tilespmem:$0x2B80] =	vst v63  }
0x23: {  	_ =	swait.ge [sflag:s13], $0x80  }
0x24: {  	[sflag:s13] =	ssyncset.done $0x0  }
0x25: {  	[sflag:s13] =	ssyncadd.s32 $0xFFFFFF80  }
0x26: {  	[spmem:s6] =	stream.linear.scatter [tilespmem:s12], [sflag:$0x3], $0x80, $0x38;
	[tilespmem:$0x2B80] =	vst v63  }
0x27: {  	_ =	swait.ge [sflag:s13], $0x80  }
0x28: {  	[sflag:s13] =	ssyncset.done $0x0  }
0x29: {  	[sflag:s13] =	ssyncadd.s32 $0xFFFFFF80  }
0x2a: {  	[spmem:s7] =	stream.linear.scatter [tilespmem:s12], [sflag:$0x3], $0x80, $0x38;
	[tilespmem:$0x2B80] =	vst v63  }
0x2b: {  	_ =	swait.ge [sflag:s13], $0x80  }
0x2c: {  	[sflag:s13] =	ssyncset.done $0x0  }
0x2d: {  	[sflag:s13] =	ssyncadd.s32 $0xFFFFFF80  }
0x2e: {  	[spmem:s8] =	stream.linear.scatter [tilespmem:s12], [sflag:$0x3], $0x80, $0x38;
	[tilespmem:$0x2B80] =	vst v63  }
0x2f: {  	_ =	swait.ge [sflag:s13], $0x80  }
0x30: {  	[sflag:s13] =	ssyncset.done $0x0  }
0x31: {  	[sflag:s13] =	ssyncadd.s32 $0xFFFFFF80  }
0x32: {  	[spmem:s9] =	stream.linear.scatter [tilespmem:s12], [sflag:$0x3], $0x80, $0x38;
	[tilespmem:$0x2B80] =	vst v63  }
0x33: {  	_ =	swait.ge [sflag:s13], $0x80  }
0x34: {  	[sflag:s13] =	ssyncset.done $0x0  }
0x35: {  	[sflag:s13] =	ssyncadd.s32 $0xFFFFFF80  }
0x36: {  	_ =	swait.ge [sflag:s14], $0x2800  }
0x37: {  	[sflag:s14] =	ssyncset.done $0x0  }
0x38: {  	[sflag:s14] =	ssyncadd.s32 $0xFFFFD800  }
0x39: {  	[bflag:$0x0] =	sbarrier.arrive $0xFFFF  }
0x3a: {  	[spmem:s2] =	stream.indirect.scatter.add.f32 [tilespmem:s16], [sflag:$0x1], $0x1, s3, s15, $0xb8;
	[tilespmem:$0x2B80] =	vst v63  }
0x3b: {  	s24 =	simm.s32 $0x80  }
0x3c: {  	[spmem:s2] =	stream.indirect.scatter.add.f32 [tilespmem:s16], [sflag:$0x2], $0x1, s24, s15, $0xb8;
	[tilespmem:$0x2B80] =	vst v63  }
0x3d: {  	_ =	swait.ge [sflag:s17], $0x80  }
0x3e: {  	[sflag:s17] =	ssyncset.done $0x0  }
0x3f: {  	s31 =	simm.s32 $0x100;
	[sflag:s17] =	ssyncadd.s32 $0xFFFFFF80  }
0x40: {  	[spmem:s2] =	stream.indirect.scatter.add.f32 [tilespmem:s16], [sflag:$0x1], $0x1, s31, s15, $0xb8;
	[tilespmem:$0x2B80] =	vst v63  }
0x41: {  	_ =	swait.ge [sflag:s14], $0x80  }
0x42: {  	s25 =	simm.s32 $0xFFFF6C00;
	s24 =	simm.s32 $0xFFFFDA00;
	[sflag:s14] =	ssyncset.done $0x0  }
.LBB2_2:
0x43: {  	s26 =	sadd.s32 $0x2780, s24  }
0x44: {  	[sflag:s14] =	ssyncadd.s32 $0xFFFFFF80;
	s28 =	smov.u32 s25;
	s29 =	sadd.s32 $0x400, s25  }
0x45: {  	[spmem:s2] =	stream.indirect.scatter.add.f32 [tilespmem:s16], [sflag:$0x2], $0x1, s26, s15, $0xb8;
	[tilespmem:$0x2B80] =	vst v63  }
0x46: {  	p0 =	sne.s32 s25, $0xFFFFFC00;
	_ =	swait.ge [sflag:s17], $0x80  }
.Ltmp0:
0x47: {  	[sflag:s17] =	ssyncset.done $0x0;
	(pc) =	sbr.rel @p0 .LBB2_2-.Ltmp0, $4  }
0x48: {  	s24 =	sadd.s32 $0x2800, s24;
	[sflag:s17] =	ssyncadd.s32 $0xFFFFFF80  }
0x49: {  	[spmem:s2] =	stream.indirect.scatter.add.f32 [tilespmem:s16], [sflag:$0x1], $0x1, s24, s15, $0xb8;
	[tilespmem:$0x2B80] =	vst v63  }
0x4a: {  	_ =	swait.ge [sflag:s14], $0x80  }
0x4b: {  	s25 =	smov.u32 s29;
	s24 =	sshra.s32 s28, $0x2;
	[sflag:s14] =	ssyncset.done $0x0  }
0x4c: {  	s25 =	sadd.s32 $0x2780, s24;
	[sflag:s14] =	ssyncadd.s32 $0xFFFFFF80  }
0x4d: {  	[spmem:s2] =	stream.indirect.scatter.add.f32 [tilespmem:s16], [sflag:$0x2], $0x1, s25, s15, $0xb8;
	[tilespmem:$0x2B80] =	vst v63  }
0x4e: {  	_ =	swait.ge [sflag:s17], $0x80  }
0x4f: {  	[sflag:s17] =	ssyncset.done $0x0  }
0x50: {  	s31 =	sadd.s32 $0x2800, s24;
	[sflag:s17] =	ssyncadd.s32 $0xFFFFFF80  }
0x51: {  	[spmem:s2] =	stream.indirect.scatter.add.f32 [tilespmem:s16], [sflag:$0x1], $0x1, s31, s15, $0xb8;
	[tilespmem:$0x2B80] =	vst v63  }
0x52: {  	_ =	swait.ge [sflag:s14], $0x80  }
0x53: {  	[sflag:s14] =	ssyncset.done $0x0  }
0x54: {  	[sflag:s14] =	ssyncadd.s32 $0xFFFFFF80  }
0x55: {  	[spmem:s2] =	stream.indirect.scatter.add.f32 [tilespmem:s16], [sflag:$0x2], $0x1, s18, s15, $0xb8;
	[tilespmem:$0x2B80] =	vst v63  }
0x56: {  	_ =	swait.ge [sflag:s17], $0x80  }
0x57: {  	[sflag:s17] =	ssyncset.done $0x0  }
0x58: {  	[sflag:s17] =	ssyncadd.s32 $0xFFFFFF80  }
0x59: {  	_ =	swait.ge [sflag:s14], $0x80  }
0x5a: {  	s23 =	sadd.s32 $0x1, s23;
	[sflag:s14] =	ssyncset.done $0x0  }
0x5b: {  	p0 =	sne.s32 s23, s11;
	[sflag:s14] =	ssyncadd.s32 $0xFFFFFF80  }
.Ltmp1:
0x5c: {  	[bflag:$0x0] =	sbarrier.arrive $0xFFFF;
	(pc) =	sbr.rel @p0 .LBB2_1-.Ltmp1, $4  }
0x5d: {  	[hbm:s10@s21], [sflag:s19] =	dma.strided [spmem:s20@s22], $0x50, s17, $0x10   }
0x5e: {  	_ =	swait.ge [sflag:s13], $0x50  }
0x5f: {  	[sflag:s13] =	ssyncset.done $0x0  }
0x60: {  	[sflag:s13] =	ssyncadd.s32 $0xFFFFFFB0  }
0x61: {  	_ =	sfence.sel $0x180000  }
0x62: {  	[bflag:$0x0] =	sbarrier.arrive $0xFFFF  }
0x63: {  	p0 =	sne.s32 s0, $0x0;
	_ =	strace $0x90000047  }
0x64: {  	s0 =	sadd.s32 @!p0 $0x100000, s1;
	[bflag:$0x2] =	sbarrier.arrive $0xFFFF  }
0x65: {  	[sflag:s0] =	ssyncadd.tile.s32 @!p0 $0x1;
	_ =	shalt  }
.Lfunc_end2:
_tile_overlayer_lowered:
.L_overlay_start_2:
0x66: {  	(tag) =	ssettag $0x2  }
0x67: {  	s0 =	rddreg [dreg:$0x0];
	s2 =	stileid.u32  }
0x68: {  	s1 =	rddreg [dreg:$0x1];
	p0 =	sne.s32 s2, $0x0  }
0x69: {  	s3 =	rddreg [dreg:$0x2];
	[bflag:$0x3] =	sbarrier.arrive $0xFFFF;
	s2 =	simm.s32 @!p0 $0x1C03  }
0x6a: {  	[timem:s3], [sflag:s2] =	dma.local @!p0 [hbm:s0], s1  }
0x6b: {  	s0 =	simm.s32 @!p0 $0x3  }
0x6c: {  	_ =	swait.ge @!p0 [sflag:s0], s1  }
0x6d: {  	s1 =	ssub.s32 @!p0 $0x0, s1;
	[sflag:s0] =	ssyncset.done @!p0 $0x0  }
0x6e: {  	[sflag:s0] =	ssyncadd.s32 @!p0 s1  }
0x6f: {  	[bflag:$0x3] =	sbarrier.arrive $0xFFFF  }
0x70: {  	_ =	shalt  }

</sc_bundles>
